<compile_context>
chip_gen: v7x
topology: tpu7x:2x2x1
jax: 0.10.2.dev20260603
libtpu: 0.0.44.dev20260713+nightly
codegen_flags: <defaults>
</compile_context>

<pallas_src>
import functools

import jax
import jax.numpy as jnp
from jax import lax
from jax.experimental import pallas as pl
from jax.experimental.pallas import tpu as pltpu
from jax.experimental.pallas import tpu_sc as plsc

N = 10000
E = 320000
D = 128

NC = 2
NS = 16
NW = NC * NS
N_PAD = 10240
ROWS_PER_TILE = N_PAD // NS
E_PER_W = E // NW
CHUNK = 80
N_CHUNKS = E_PER_W // CHUNK


def _spmm_partials(x_pad, src, dst, zeros_block):
    mesh = plsc.VectorSubcoreMesh(core_axis_name="c", subcore_axis_name="s")

    @functools.partial(
        pl.kernel,
        mesh=mesh,
        out_type=jax.ShapeDtypeStruct((NC * N_PAD, D), jnp.float32),
        scratch_types=[
            pltpu.VMEM((CHUNK,), jnp.int32),
            pltpu.VMEM((CHUNK,), jnp.int32),
            pltpu.VMEM((CHUNK, D), jnp.float32),
            pltpu.VMEM_SHARED((N_PAD, D), jnp.float32),
            pltpu.SemaphoreType.DMA,
        ],
    )
    def spmm(x_hbm, src_hbm, dst_hbm, zb_hbm, out_hbm, sidx, didx, rows, acc, sem):
        c = lax.axis_index("c")
        s = lax.axis_index("s")
        wid = s * NC + c

        row0 = pl.multiple_of(s * ROWS_PER_TILE, ROWS_PER_TILE)
        pltpu.sync_copy(zb_hbm, acc.at[pl.ds(row0, ROWS_PER_TILE)])
        plsc.subcore_barrier()

        base = wid * E_PER_W

        def body(j, carry):
            off = pl.multiple_of(base + j * CHUNK, CHUNK)
            pltpu.sync_copy(src_hbm.at[pl.ds(off, CHUNK)], sidx)
            pltpu.sync_copy(dst_hbm.at[pl.ds(off, CHUNK)], didx)
            pltpu.async_copy(x_hbm.at[sidx], rows, sem).wait()
            pltpu.sync_copy(rows, acc.at[didx], add=True)
            return carry

        lax.fori_loop(0, N_CHUNKS, body, 0)
        plsc.subcore_barrier()

        out0 = pl.multiple_of(c * N_PAD + s * ROWS_PER_TILE, ROWS_PER_TILE)
        pltpu.sync_copy(acc.at[pl.ds(row0, ROWS_PER_TILE)],
                        out_hbm.at[pl.ds(out0, ROWS_PER_TILE)])

    return spmm(x_pad, src, dst, zeros_block)


_BM = 640


def _mlp0_body(p_ref, x_ref, eps_ref, w1_ref, b1_ref, w2_ref, b2_ref, o_ref):
    h = p_ref[0] + p_ref[1] + (1.0 + eps_ref[0, 0]) * x_ref[...]
    h = jnp.dot(h, w1_ref[...], preferred_element_type=jnp.float32) + b1_ref[...]
    h = jnp.maximum(h, 0.0)
    o_ref[...] = jnp.dot(h, w2_ref[...], preferred_element_type=jnp.float32) + b2_ref[...]


def _mlp_layer(p, x_pad, eps, w1, b1, w2, b2):
    grid = (N_PAD // _BM,)
    wspec = pl.BlockSpec((D, D), lambda i: (0, 0))
    bspec = pl.BlockSpec((1, D), lambda i: (0, 0))
    return pl.pallas_call(
        _mlp0_body,
        grid=grid,
        in_specs=[
            pl.BlockSpec((2, _BM, D), lambda i: (0, i, 0)),
            pl.BlockSpec((_BM, D), lambda i: (i, 0)),
            pl.BlockSpec((1, 1), lambda i: (0, 0)),
            wspec, bspec, wspec, bspec,
        ],
        out_specs=pl.BlockSpec((_BM, D), lambda i: (i, 0)),
        out_shape=jax.ShapeDtypeStruct((N_PAD, D), jnp.float32),
    )(p, x_pad, eps, w1, b1, w2, b2)


def _mlp1_final_body(p_ref, x_ref, eps_ref, w1_ref, b1_ref, w2_ref, b2_ref,
                     wf1_ref, bf1_ref, wf2_ref, bf2_ref, o_ref):
    h = p_ref[0] + p_ref[1] + (1.0 + eps_ref[0, 0]) * x_ref[...]
    h = jnp.dot(h, w1_ref[...], preferred_element_type=jnp.float32) + b1_ref[...]
    h = jnp.maximum(h, 0.0)
    h = jnp.dot(h, w2_ref[...], preferred_element_type=jnp.float32) + b2_ref[...]
    h = jnp.dot(h, wf1_ref[...], preferred_element_type=jnp.float32) + bf1_ref[...]
    h = jnp.maximum(h, 0.0)
    o_ref[...] = jnp.dot(h, wf2_ref[...], preferred_element_type=jnp.float32) + bf2_ref[...]


def _mlp1_final(p, h_pad, eps, w1, b1, w2, b2, wf1, bf1, wf2, bf2):
    grid = (N_PAD // _BM,)
    wspec = pl.BlockSpec((D, D), lambda i: (0, 0))
    bspec = pl.BlockSpec((1, D), lambda i: (0, 0))
    return pl.pallas_call(
        _mlp1_final_body,
        grid=grid,
        in_specs=[
            pl.BlockSpec((2, _BM, D), lambda i: (0, i, 0)),
            pl.BlockSpec((_BM, D), lambda i: (i, 0)),
            pl.BlockSpec((1, 1), lambda i: (0, 0)),
            wspec, bspec, wspec, bspec,
            wspec, bspec, wspec, bspec,
        ],
        out_specs=pl.BlockSpec((_BM, D), lambda i: (i, 0)),
        out_shape=jax.ShapeDtypeStruct((N_PAD, D), jnp.float32),
    )(p, h_pad, eps, w1, b1, w2, b2, wf1, bf1, wf2, bf2)


def kernel(x, edge_index, eps0, W1_0, b1_0, W2_0, b2_0, eps1, W1_1, b1_1,
           W2_1, b2_1, Wf1, bf1, Wf2, bf2):
    src = edge_index[0]
    dst = edge_index[1]
    x_pad = jnp.pad(x, ((0, N_PAD - N), (0, 0)))
    zb = jnp.zeros((ROWS_PER_TILE, D), jnp.float32)
    eps0_2d = jnp.reshape(eps0, (1, 1))
    eps1_2d = jnp.reshape(eps1, (1, 1))

    p0 = _spmm_partials(x_pad, src, dst, zb).reshape(NC, N_PAD, D)
    h1 = _mlp_layer(p0, x_pad, eps0_2d, W1_0, jnp.reshape(b1_0, (1, D)),
                    W2_0, jnp.reshape(b2_0, (1, D)))
    p1 = _spmm_partials(h1, src, dst, zb).reshape(NC, N_PAD, D)
    out = _mlp1_final(p1, h1, eps1_2d, W1_1, jnp.reshape(b1_1, (1, D)),
                      W2_1, jnp.reshape(b2_1, (1, D)),
                      Wf1, jnp.reshape(bf1, (1, D)),
                      Wf2, jnp.reshape(bf2, (1, D)))
    return out[:N]

# --- scband reference (transcript-rebuilt; emitter-appended) ---
"""Pipeline reference for scband-gin-29978871726578 (READ-ONLY COPY).

The authoritative reference and input builder live on the scoring server;
editing this copy changes nothing except your own understanding.
"""

import jax, jax.numpy as jnp
import numpy as np

N = 10000
E = 320000
D = 128
H = 128
OUT = 128


def setup_inputs(seed: int = 0) -> dict:
    key = jax.random.key(seed)
    ks = jax.random.split(key, 16)
    inp = {}
    inp["x"] = jax.random.normal(ks[0], (N, D), dtype=jnp.float32)
    inp["edge_index"] = jax.random.randint(ks[1], (2, E), 0, N, dtype=jnp.int32)
    s = 0.05
    # GINConv layer 0 (in=128 -> hidden=128)
    inp["eps0"] = jnp.zeros((1,), dtype=jnp.float32)
    inp["W1_0"] = jax.random.normal(ks[2], (D, H), dtype=jnp.float32) * s
    inp["b1_0"] = jnp.zeros((H,), dtype=jnp.float32)
    inp["W2_0"] = jax.random.normal(ks[3], (H, H), dtype=jnp.float32) * s
    inp["b2_0"] = jnp.zeros((H,), dtype=jnp.float32)
    # GINConv layer 1 (hidden=128 -> hidden=128)
    inp["eps1"] = jnp.zeros((1,), dtype=jnp.float32)
    inp["W1_1"] = jax.random.normal(ks[4], (H, H), dtype=jnp.float32) * s
    inp["b1_1"] = jnp.zeros((H,), dtype=jnp.float32)
    inp["W2_1"] = jax.random.normal(ks[5], (H, H), dtype=jnp.float32) * s
    inp["b2_1"] = jnp.zeros((H,), dtype=jnp.float32)
    # final MLP: linear1 (hidden[-2]=128 -> hidden[-1]=128), linear2 (128 -> out=128)
    inp["Wf1"] = jax.random.normal(ks[6], (H, H), dtype=jnp.float32) * s
    inp["bf1"] = jnp.zeros((H,), dtype=jnp.float32)
    inp["Wf2"] = jax.random.normal(ks[7], (H, OUT), dtype=jnp.float32) * s
    inp["bf2"] = jnp.zeros((OUT,), dtype=jnp.float32)
    return inp


def _gin_layer(x, src, dst, eps, W1, b1, W2, b2):
    # y = spmm(adj, x): scatter-add of gathered neighbor features
    y = jax.ops.segment_sum(jnp.take(x, src, axis=0), dst, num_segments=N)
    h = y + (1.0 + eps[0]) * x
    h = jnp.dot(h, W1) + b1
    h = jax.nn.relu(h)
    h = jnp.dot(h, W2) + b2
    # dropout p=0 -> identity
    return h


def reference(x, edge_index, eps0, W1_0, b1_0, W2_0, b2_0, eps1, W1_1, b1_1, W2_1, b2_1, Wf1, bf1, Wf2, bf2):
    src = edge_index[0]
    dst = edge_index[1]
    h = _gin_layer(x, src, dst, eps0, W1_0, b1_0, W2_0, b2_0)
    h = _gin_layer(h, src, dst, eps1, W1_1, b1_1, W2_1, b2_1)
    h = jax.nn.relu(jnp.dot(h, Wf1) + bf1)
    # F.dropout with p=0 -> identity
    h = jnp.dot(h, Wf2) + bf2
    return h

if __name__ == "__main__":
    import jax
    _d = setup_inputs()
    print(jax.jit(kernel)(*tuple(_d.values())))

</pallas_src>

<mosaic_0001>
#map = affine_map<(d0, d1) -> (0, 0)>
#map1 = affine_map<(d0, d1) -> (0)>
module attributes {stable_mosaic.version = 14 : i64} {
  func.func @spmm(%arg0: i32, %arg1: i32, %arg2: memref<10240x128xf32, #tpu.memory_space<hbm>>, %arg3: memref<320000xi32, #tpu.memory_space<hbm>>, %arg4: memref<320000xi32, #tpu.memory_space<hbm>>, %arg5: memref<640x128xf32, #tpu.memory_space<hbm>>, %arg6: memref<20480x128xf32, #tpu.memory_space<hbm>>, %arg7: memref<80xi32, #tpu.memory_space<vmem>>, %arg8: memref<80xi32, #tpu.memory_space<vmem>>, %arg9: memref<80x128xf32, #tpu.memory_space<vmem>>, %arg10: memref<10240x128xf32, #tpu.memory_space<vmem_shared>>, %arg11: memref<!tpu.dma_semaphore, #tpu.memory_space<semaphore_mem>>) attributes {dimension_semantics = [#tpu.dimension_semantics<core_parallel>, #tpu.dimension_semantics<subcore_parallel>], iteration_bounds = array<i64: 2, 16>, scalar_prefetch = 0 : i64, scratch_operands = 5 : i64, tpu.core_type = #tpu.core_type<sc_vector_subcore>, window_params = [{transform_indices = #map}, {transform_indices = #map1}, {transform_indices = #map1}, {transform_indices = #map}, {transform_indices = #map}]} {
    %mul3A = arith.constant 2 : i32
    %mul3A_0 = arith.muli %arg1, %mul3A : i32
    %add3A = arith.addi %mul3A_0, %arg0 : i32
    %mul3A_1 = arith.constant 640 : i32
    %mul3A_2 = arith.muli %arg1, %mul3A_1 : i32
    %multiple_of3A = tpu.assume_multiple %mul3A_2, 640 : i32
    "tpu.region"() ({
      %run_scoped3A = tpu.sem_alloc : memref<!tpu.dma_semaphore, #tpu.memory_space<semaphore_mem>>
      %dma_start3A = arith.constant 0 : i32
      %dma_start3A_17 = tpu.memref_slice %arg10[%multiple_of3A, %dma_start3A] : memref<10240x128xf32, #tpu.memory_space<vmem_shared>> -> memref<640x128xf32, #tpu.memory_space<vmem_shared>>
      tpu.enqueue_dma source(%arg5 : memref<640x128xf32, #tpu.memory_space<hbm>>) target(%dma_start3A_17 : memref<640x128xf32, #tpu.memory_space<vmem_shared>>) target_semaphore(%run_scoped3A : memref<!tpu.dma_semaphore, #tpu.memory_space<semaphore_mem>>)
      %dma_wait3A = arith.constant 0 : i32
      %dma_wait3A_18 = tpu.memref_slice %arg10[%multiple_of3A, %dma_wait3A] : memref<10240x128xf32, #tpu.memory_space<vmem_shared>> -> memref<640x128xf32, #tpu.memory_space<vmem_shared>>
      tpu.wait_dma2 semaphore(%run_scoped3A : memref<!tpu.dma_semaphore, #tpu.memory_space<semaphore_mem>>) src(%arg5 : memref<640x128xf32, #tpu.memory_space<hbm>>) dst(%dma_wait3A_18 : memref<640x128xf32, #tpu.memory_space<vmem_shared>>)
      tpu.yield
    }) : () -> ()
    %barrier3A = arith.constant 0 : index
    tpu.barrier barrier_id(%barrier3A)
    %mul3A_3 = arith.constant 10000 : i32
    %mul3A_4 = arith.muli %add3A, %mul3A_3 : i32
    %scan3A = arith.constant 0 : i32
    %scan3A_5 = arith.constant 0 : i32
    %scan3A_6 = arith.constant 125 : i32
    %scan3A_7 = arith.addi %scan3A_5, %scan3A_6 : i32
    %scan3A_8 = arith.constant 1 : i32
    scf.for %scan3A_17 = %scan3A_5 to %scan3A_7 step %scan3A_8  : i32 {
      %mul3A_18 = arith.constant 80 : i32
      %mul3A_19 = arith.muli %scan3A_17, %mul3A_18 : i32
      %add3A_20 = arith.addi %mul3A_4, %mul3A_19 : i32
      %multiple_of3A_21 = tpu.assume_multiple %add3A_20, 80 : i32
      "tpu.region"() ({
        %run_scoped3A = tpu.sem_alloc : memref<!tpu.dma_semaphore, #tpu.memory_space<semaphore_mem>>
        %dma_start3A_26 = tpu.memref_slice %arg3[%multiple_of3A_21] : memref<320000xi32, #tpu.memory_space<hbm>> -> memref<80xi32, #tpu.memory_space<hbm>>
        %dma_start3A_27 = tpu.memref_slice %arg3[%multiple_of3A_21] : memref<320000xi32, #tpu.memory_space<hbm>> -> memref<80xi32, #tpu.memory_space<hbm>>
        tpu.enqueue_dma source(%dma_start3A_27 : memref<80xi32, #tpu.memory_space<hbm>>) target(%arg7 : memref<80xi32, #tpu.memory_space<vmem>>) target_semaphore(%run_scoped3A : memref<!tpu.dma_semaphore, #tpu.memory_space<semaphore_mem>>)
        %dma_wait3A_28 = tpu.memref_slice %arg3[%multiple_of3A_21] : memref<320000xi32, #tpu.memory_space<hbm>> -> memref<80xi32, #tpu.memory_space<hbm>>
        %dma_wait3A_29 = tpu.memref_slice %arg3[%multiple_of3A_21] : memref<320000xi32, #tpu.memory_space<hbm>> -> memref<80xi32, #tpu.memory_space<hbm>>
        tpu.wait_dma2 semaphore(%run_scoped3A : memref<!tpu.dma_semaphore, #tpu.memory_space<semaphore_mem>>) src(%dma_wait3A_29 : memref<80xi32, #tpu.memory_space<hbm>>) dst(%arg7 : memref<80xi32, #tpu.memory_space<vmem>>)
        tpu.yield
      }) : () -> ()
      "tpu.region"() ({
        %run_scoped3A = tpu.sem_alloc : memref<!tpu.dma_semaphore, #tpu.memory_space<semaphore_mem>>
        %dma_start3A_26 = tpu.memref_slice %arg4[%multiple_of3A_21] : memref<320000xi32, #tpu.memory_space<hbm>> -> memref<80xi32, #tpu.memory_space<hbm>>
        %dma_start3A_27 = tpu.memref_slice %arg4[%multiple_of3A_21] : memref<320000xi32, #tpu.memory_space<hbm>> -> memref<80xi32, #tpu.memory_space<hbm>>
        tpu.enqueue_dma source(%dma_start3A_27 : memref<80xi32, #tpu.memory_space<hbm>>) target(%arg8 : memref<80xi32, #tpu.memory_space<vmem>>) target_semaphore(%run_scoped3A : memref<!tpu.dma_semaphore, #tpu.memory_space<semaphore_mem>>)
        %dma_wait3A_28 = tpu.memref_slice %arg4[%multiple_of3A_21] : memref<320000xi32, #tpu.memory_space<hbm>> -> memref<80xi32, #tpu.memory_space<hbm>>
        %dma_wait3A_29 = tpu.memref_slice %arg4[%multiple_of3A_21] : memref<320000xi32, #tpu.memory_space<hbm>> -> memref<80xi32, #tpu.memory_space<hbm>>
        tpu.wait_dma2 semaphore(%run_scoped3A : memref<!tpu.dma_semaphore, #tpu.memory_space<semaphore_mem>>) src(%dma_wait3A_29 : memref<80xi32, #tpu.memory_space<hbm>>) dst(%arg8 : memref<80xi32, #tpu.memory_space<vmem>>)
        tpu.yield
      }) : () -> ()
      %dma_start3A = arith.constant 0 : i32
      %dma_start3A_22 = arith.constant 0 : i32
      %dma_start3A_23 = tpu.memref_slice %arg2[%dma_start3A, %dma_start3A_22] : memref<10240x128xf32, #tpu.memory_space<hbm>> -> memref<10240x128xf32, #tpu.memory_space<hbm>>
      tpu.enqueue_indirect_dma source(%dma_start3A_23 : memref<10240x128xf32, #tpu.memory_space<hbm>>) target(%arg9 : memref<80x128xf32, #tpu.memory_space<vmem>>) offsets(%arg7 : memref<80xi32, #tpu.memory_space<vmem>>) semaphore(%arg11 : memref<!tpu.dma_semaphore, #tpu.memory_space<semaphore_mem>>)
      %dma_wait3A = arith.constant 0 : i32
      %dma_wait3A_24 = arith.constant 0 : i32
      %dma_wait3A_25 = tpu.memref_slice %arg2[%dma_wait3A, %dma_wait3A_24] : memref<10240x128xf32, #tpu.memory_space<hbm>> -> memref<10240x128xf32, #tpu.memory_space<hbm>>
      tpu.wait_indirect_dma semaphore(%arg11 : memref<!tpu.dma_semaphore, #tpu.memory_space<semaphore_mem>>) src(%dma_wait3A_25 : memref<10240x128xf32, #tpu.memory_space<hbm>>) dst(%arg9 : memref<80x128xf32, #tpu.memory_space<vmem>>)
      "tpu.region"() ({
        %run_scoped3A = tpu.sem_alloc : memref<!tpu.dma_semaphore, #tpu.memory_space<semaphore_mem>>
        %dma_start3A_26 = arith.constant 0 : i32
        %dma_start3A_27 = arith.constant 0 : i32
        %dma_start3A_28 = tpu.memref_slice %arg10[%dma_start3A_26, %dma_start3A_27] : memref<10240x128xf32, #tpu.memory_space<vmem_shared>> -> memref<10240x128xf32, #tpu.memory_space<vmem_shared>>
        tpu.enqueue_indirect_dma source(%arg9 : memref<80x128xf32, #tpu.memory_space<vmem>>) target(%dma_start3A_28 : memref<10240x128xf32, #tpu.memory_space<vmem_shared>>) offsets(%arg8 : memref<80xi32, #tpu.memory_space<vmem>>) semaphore(%run_scoped3A : memref<!tpu.dma_semaphore, #tpu.memory_space<semaphore_mem>>) {add = true}
        %dma_wait3A_29 = arith.constant 0 : i32
        %dma_wait3A_30 = arith.constant 0 : i32
        %dma_wait3A_31 = tpu.memref_slice %arg10[%dma_wait3A_29, %dma_wait3A_30] : memref<10240x128xf32, #tpu.memory_space<vmem_shared>> -> memref<10240x128xf32, #tpu.memory_space<vmem_shared>>
        tpu.wait_indirect_dma semaphore(%run_scoped3A : memref<!tpu.dma_semaphore, #tpu.memory_space<semaphore_mem>>) src(%arg9 : memref<80x128xf32, #tpu.memory_space<vmem>>) dst(%dma_wait3A_31 : memref<10240x128xf32, #tpu.memory_space<vmem_shared>>)
        tpu.yield
      }) : () -> ()
    }
    %scan3A_9 = arith.constant 125 : i32
    %barrier3A_10 = arith.constant 0 : index
    tpu.barrier barrier_id(%barrier3A_10)
    %mul3A_11 = arith.constant 10240 : i32
    %mul3A_12 = arith.muli %arg0, %mul3A_11 : i32
    %mul3A_13 = arith.constant 640 : i32
    %mul3A_14 = arith.muli %arg1, %mul3A_13 : i32
    %add3A_15 = arith.addi %mul3A_12, %mul3A_14 : i32
    %multiple_of3A_16 = tpu.assume_multiple %add3A_15, 640 : i32
    "tpu.region"() ({
      %run_scoped3A = tpu.sem_alloc : memref<!tpu.dma_semaphore, #tpu.memory_space<semaphore_mem>>
      %dma_start3A = arith.constant 0 : i32
      %dma_start3A_17 = tpu.memref_slice %arg6[%multiple_of3A_16, %dma_start3A] : memref<20480x128xf32, #tpu.memory_space<hbm>> -> memref<640x128xf32, #tpu.memory_space<hbm>>
      %dma_start3A_18 = arith.constant 0 : i32
      %dma_start3A_19 = tpu.memref_slice %arg10[%multiple_of3A, %dma_start3A_18] : memref<10240x128xf32, #tpu.memory_space<vmem_shared>> -> memref<640x128xf32, #tpu.memory_space<vmem_shared>>
      tpu.enqueue_dma source(%dma_start3A_19 : memref<640x128xf32, #tpu.memory_space<vmem_shared>>) target(%dma_start3A_17 : memref<640x128xf32, #tpu.memory_space<hbm>>) target_semaphore(%run_scoped3A : memref<!tpu.dma_semaphore, #tpu.memory_space<semaphore_mem>>)
      %dma_wait3A = arith.constant 0 : i32
      %dma_wait3A_20 = tpu.memref_slice %arg6[%multiple_of3A_16, %dma_wait3A] : memref<20480x128xf32, #tpu.memory_space<hbm>> -> memref<640x128xf32, #tpu.memory_space<hbm>>
      %dma_wait3A_21 = arith.constant 0 : i32
      %dma_wait3A_22 = tpu.memref_slice %arg10[%multiple_of3A, %dma_wait3A_21] : memref<10240x128xf32, #tpu.memory_space<vmem_shared>> -> memref<640x128xf32, #tpu.memory_space<vmem_shared>>
      tpu.wait_dma2 semaphore(%run_scoped3A : memref<!tpu.dma_semaphore, #tpu.memory_space<semaphore_mem>>) src(%dma_wait3A_22 : memref<640x128xf32, #tpu.memory_space<vmem_shared>>) dst(%dma_wait3A_20 : memref<640x128xf32, #tpu.memory_space<hbm>>)
      tpu.yield
    }) : () -> ()
    return
  }
}

#map = affine_map<(d0, d1) -> (0, 0)>
#map1 = affine_map<(d0, d1) -> (0)>
module attributes {stable_mosaic.version = 14 : i64} {
  func.func @spmm(%arg0: i32, %arg1: i32, %arg2: memref<10240x128xf32, #tpu.memory_space<hbm>>, %arg3: memref<320000xi32, #tpu.memory_space<hbm>>, %arg4: memref<320000xi32, #tpu.memory_space<hbm>>, %arg5: memref<640x128xf32, #tpu.memory_space<hbm>>, %arg6: memref<20480x128xf32, #tpu.memory_space<hbm>>, %arg7: memref<80xi32, #tpu.memory_space<vmem>>, %arg8: memref<80xi32, #tpu.memory_space<vmem>>, %arg9: memref<80x128xf32, #tpu.memory_space<vmem>>, %arg10: memref<10240x128xf32, #tpu.memory_space<vmem_shared>>, %arg11: memref<!tpu.dma_semaphore, #tpu.memory_space<semaphore_mem>>) attributes {dimension_semantics = [#tpu.dimension_semantics<core_parallel>, #tpu.dimension_semantics<subcore_parallel>], iteration_bounds = array<i64: 2, 16>, scalar_prefetch = 0 : i64, scratch_operands = 5 : i64, tpu.core_type = #tpu.core_type<sc_vector_subcore>, window_params = [{transform_indices = #map}, {transform_indices = #map1}, {transform_indices = #map1}, {transform_indices = #map}, {transform_indices = #map}]} {
    %mul3A = arith.constant 2 : i32
    %mul3A_0 = arith.muli %arg1, %mul3A : i32
    %add3A = arith.addi %mul3A_0, %arg0 : i32
    %mul3A_1 = arith.constant 640 : i32
    %mul3A_2 = arith.muli %arg1, %mul3A_1 : i32
    %multiple_of3A = tpu.assume_multiple %mul3A_2, 640 : i32
    "tpu.region"() ({
      %run_scoped3A = tpu.sem_alloc : memref<!tpu.dma_semaphore, #tpu.memory_space<semaphore_mem>>
      %dma_start3A = arith.constant 0 : i32
      %dma_start3A_17 = tpu.memref_slice %arg10[%multiple_of3A, %dma_start3A] : memref<10240x128xf32, #tpu.memory_space<vmem_shared>> -> memref<640x128xf32, #tpu.memory_space<vmem_shared>>
      tpu.enqueue_dma source(%arg5 : memref<640x128xf32, #tpu.memory_space<hbm>>) target(%dma_start3A_17 : memref<640x128xf32, #tpu.memory_space<vmem_shared>>) target_semaphore(%run_scoped3A : memref<!tpu.dma_semaphore, #tpu.memory_space<semaphore_mem>>)
      %dma_wait3A = arith.constant 0 : i32
      %dma_wait3A_18 = tpu.memref_slice %arg10[%multiple_of3A, %dma_wait3A] : memref<10240x128xf32, #tpu.memory_space<vmem_shared>> -> memref<640x128xf32, #tpu.memory_space<vmem_shared>>
      tpu.wait_dma2 semaphore(%run_scoped3A : memref<!tpu.dma_semaphore, #tpu.memory_space<semaphore_mem>>) src(%arg5 : memref<640x128xf32, #tpu.memory_space<hbm>>) dst(%dma_wait3A_18 : memref<640x128xf32, #tpu.memory_space<vmem_shared>>)
      tpu.yield
    }) : () -> ()
    %barrier3A = arith.constant 0 : index
    tpu.barrier barrier_id(%barrier3A)
    %mul3A_3 = arith.constant 10000 : i32
    %mul3A_4 = arith.muli %add3A, %mul3A_3 : i32
    %scan3A = arith.constant 0 : i32
    %scan3A_5 = arith.constant 0 : i32
    %scan3A_6 = arith.constant 125 : i32
    %scan3A_7 = arith.addi %scan3A_5, %scan3A_6 : i32
    %scan3A_8 = arith.constant 1 : i32
    scf.for %scan3A_17 = %scan3A_5 to %scan3A_7 step %scan3A_8  : i32 {
      %mul3A_18 = arith.constant 80 : i32
      %mul3A_19 = arith.muli %scan3A_17, %mul3A_18 : i32
      %add3A_20 = arith.addi %mul3A_4, %mul3A_19 : i32
      %multiple_of3A_21 = tpu.assume_multiple %add3A_20, 80 : i32
      "tpu.region"() ({
        %run_scoped3A = tpu.sem_alloc : memref<!tpu.dma_semaphore, #tpu.memory_space<semaphore_mem>>
        %dma_start3A_26 = tpu.memref_slice %arg3[%multiple_of3A_21] : memref<320000xi32, #tpu.memory_space<hbm>> -> memref<80xi32, #tpu.memory_space<hbm>>
        %dma_start3A_27 = tpu.memref_slice %arg3[%multiple_of3A_21] : memref<320000xi32, #tpu.memory_space<hbm>> -> memref<80xi32, #tpu.memory_space<hbm>>
        tpu.enqueue_dma source(%dma_start3A_27 : memref<80xi32, #tpu.memory_space<hbm>>) target(%arg7 : memref<80xi32, #tpu.memory_space<vmem>>) target_semaphore(%run_scoped3A : memref<!tpu.dma_semaphore, #tpu.memory_space<semaphore_mem>>)
        %dma_wait3A_28 = tpu.memref_slice %arg3[%multiple_of3A_21] : memref<320000xi32, #tpu.memory_space<hbm>> -> memref<80xi32, #tpu.memory_space<hbm>>
        %dma_wait3A_29 = tpu.memref_slice %arg3[%multiple_of3A_21] : memref<320000xi32, #tpu.memory_space<hbm>> -> memref<80xi32, #tpu.memory_space<hbm>>
        tpu.wait_dma2 semaphore(%run_scoped3A : memref<!tpu.dma_semaphore, #tpu.memory_space<semaphore_mem>>) src(%dma_wait3A_29 : memref<80xi32, #tpu.memory_space<hbm>>) dst(%arg7 : memref<80xi32, #tpu.memory_space<vmem>>)
        tpu.yield
      }) : () -> ()
      "tpu.region"() ({
        %run_scoped3A = tpu.sem_alloc : memref<!tpu.dma_semaphore, #tpu.memory_space<semaphore_mem>>
        %dma_start3A_26 = tpu.memref_slice %arg4[%multiple_of3A_21] : memref<320000xi32, #tpu.memory_space<hbm>> -> memref<80xi32, #tpu.memory_space<hbm>>
        %dma_start3A_27 = tpu.memref_slice %arg4[%multiple_of3A_21] : memref<320000xi32, #tpu.memory_space<hbm>> -> memref<80xi32, #tpu.memory_space<hbm>>
        tpu.enqueue_dma source(%dma_start3A_27 : memref<80xi32, #tpu.memory_space<hbm>>) target(%arg8 : memref<80xi32, #tpu.memory_space<vmem>>) target_semaphore(%run_scoped3A : memref<!tpu.dma_semaphore, #tpu.memory_space<semaphore_mem>>)
        %dma_wait3A_28 = tpu.memref_slice %arg4[%multiple_of3A_21] : memref<320000xi32, #tpu.memory_space<hbm>> -> memref<80xi32, #tpu.memory_space<hbm>>
        %dma_wait3A_29 = tpu.memref_slice %arg4[%multiple_of3A_21] : memref<320000xi32, #tpu.memory_space<hbm>> -> memref<80xi32, #tpu.memory_space<hbm>>
        tpu.wait_dma2 semaphore(%run_scoped3A : memref<!tpu.dma_semaphore, #tpu.memory_space<semaphore_mem>>) src(%dma_wait3A_29 : memref<80xi32, #tpu.memory_space<hbm>>) dst(%arg8 : memref<80xi32, #tpu.memory_space<vmem>>)
        tpu.yield
      }) : () -> ()
      %dma_start3A = arith.constant 0 : i32
      %dma_start3A_22 = arith.constant 0 : i32
      %dma_start3A_23 = tpu.memref_slice %arg2[%dma_start3A, %dma_start3A_22] : memref<10240x128xf32, #tpu.memory_space<hbm>> -> memref<10240x128xf32, #tpu.memory_space<hbm>>
      tpu.enqueue_indirect_dma source(%dma_start3A_23 : memref<10240x128xf32, #tpu.memory_space<hbm>>) target(%arg9 : memref<80x128xf32, #tpu.memory_space<vmem>>) offsets(%arg7 : memref<80xi32, #tpu.memory_space<vmem>>) semaphore(%arg11 : memref<!tpu.dma_semaphore, #tpu.memory_space<semaphore_mem>>)
      %dma_wait3A = arith.constant 0 : i32
      %dma_wait3A_24 = arith.constant 0 : i32
      %dma_wait3A_25 = tpu.memref_slice %arg2[%dma_wait3A, %dma_wait3A_24] : memref<10240x128xf32, #tpu.memory_space<hbm>> -> memref<10240x128xf32, #tpu.memory_space<hbm>>
      tpu.wait_indirect_dma semaphore(%arg11 : memref<!tpu.dma_semaphore, #tpu.memory_space<semaphore_mem>>) src(%dma_wait3A_25 : memref<10240x128xf32, #tpu.memory_space<hbm>>) dst(%arg9 : memref<80x128xf32, #tpu.memory_space<vmem>>)
      "tpu.region"() ({
        %run_scoped3A = tpu.sem_alloc : memref<!tpu.dma_semaphore, #tpu.memory_space<semaphore_mem>>
        %dma_start3A_26 = arith.constant 0 : i32
        %dma_start3A_27 = arith.constant 0 : i32
        %dma_start3A_28 = tpu.memref_slice %arg10[%dma_start3A_26, %dma_start3A_27] : memref<10240x128xf32, #tpu.memory_space<vmem_shared>> -> memref<10240x128xf32, #tpu.memory_space<vmem_shared>>
        tpu.enqueue_indirect_dma source(%arg9 : memref<80x128xf32, #tpu.memory_space<vmem>>) target(%dma_start3A_28 : memref<10240x128xf32, #tpu.memory_space<vmem_shared>>) offsets(%arg8 : memref<80xi32, #tpu.memory_space<vmem>>) semaphore(%run_scoped3A : memref<!tpu.dma_semaphore, #tpu.memory_space<semaphore_mem>>) {add = true}
        %dma_wait3A_29 = arith.constant 0 : i32
        %dma_wait3A_30 = arith.constant 0 : i32
        %dma_wait3A_31 = tpu.memref_slice %arg10[%dma_wait3A_29, %dma_wait3A_30] : memref<10240x128xf32, #tpu.memory_space<vmem_shared>> -> memref<10240x128xf32, #tpu.memory_space<vmem_shared>>
        tpu.wait_indirect_dma semaphore(%run_scoped3A : memref<!tpu.dma_semaphore, #tpu.memory_space<semaphore_mem>>) src(%arg9 : memref<80x128xf32, #tpu.memory_space<vmem>>) dst(%dma_wait3A_31 : memref<10240x128xf32, #tpu.memory_space<vmem_shared>>)
        tpu.yield
      }) : () -> ()
    }
    %scan3A_9 = arith.constant 125 : i32
    %barrier3A_10 = arith.constant 0 : index
    tpu.barrier barrier_id(%barrier3A_10)
    %mul3A_11 = arith.constant 10240 : i32
    %mul3A_12 = arith.muli %arg0, %mul3A_11 : i32
    %mul3A_13 = arith.constant 640 : i32
    %mul3A_14 = arith.muli %arg1, %mul3A_13 : i32
    %add3A_15 = arith.addi %mul3A_12, %mul3A_14 : i32
    %multiple_of3A_16 = tpu.assume_multiple %add3A_15, 640 : i32
    "tpu.region"() ({
      %run_scoped3A = tpu.sem_alloc : memref<!tpu.dma_semaphore, #tpu.memory_space<semaphore_mem>>
      %dma_start3A = arith.constant 0 : i32
      %dma_start3A_17 = tpu.memref_slice %arg6[%multiple_of3A_16, %dma_start3A] : memref<20480x128xf32, #tpu.memory_space<hbm>> -> memref<640x128xf32, #tpu.memory_space<hbm>>
      %dma_start3A_18 = arith.constant 0 : i32
      %dma_start3A_19 = tpu.memref_slice %arg10[%multiple_of3A, %dma_start3A_18] : memref<10240x128xf32, #tpu.memory_space<vmem_shared>> -> memref<640x128xf32, #tpu.memory_space<vmem_shared>>
      tpu.enqueue_dma source(%dma_start3A_19 : memref<640x128xf32, #tpu.memory_space<vmem_shared>>) target(%dma_start3A_17 : memref<640x128xf32, #tpu.memory_space<hbm>>) target_semaphore(%run_scoped3A : memref<!tpu.dma_semaphore, #tpu.memory_space<semaphore_mem>>)
      %dma_wait3A = arith.constant 0 : i32
      %dma_wait3A_20 = tpu.memref_slice %arg6[%multiple_of3A_16, %dma_wait3A] : memref<20480x128xf32, #tpu.memory_space<hbm>> -> memref<640x128xf32, #tpu.memory_space<hbm>>
      %dma_wait3A_21 = arith.constant 0 : i32
      %dma_wait3A_22 = tpu.memref_slice %arg10[%multiple_of3A, %dma_wait3A_21] : memref<10240x128xf32, #tpu.memory_space<vmem_shared>> -> memref<640x128xf32, #tpu.memory_space<vmem_shared>>
      tpu.wait_dma2 semaphore(%run_scoped3A : memref<!tpu.dma_semaphore, #tpu.memory_space<semaphore_mem>>) src(%dma_wait3A_22 : memref<640x128xf32, #tpu.memory_space<vmem_shared>>) dst(%dma_wait3A_20 : memref<640x128xf32, #tpu.memory_space<hbm>>)
      tpu.yield
    }) : () -> ()
    return
  }
}

module attributes {stable_mosaic.version = 14 : i64} {
  func.func @_mlp0_body(%arg0: i32, %arg1: memref<2x640x128xf32, #tpu.memory_space<vmem>>, %arg2: memref<640x128xf32, #tpu.memory_space<vmem>>, %arg3: memref<1x1xf32, #tpu.memory_space<vmem>>, %arg4: memref<128x128xf32, #tpu.memory_space<vmem>>, %arg5: memref<1x128xf32, #tpu.memory_space<vmem>>, %arg6: memref<128x128xf32, #tpu.memory_space<vmem>>, %arg7: memref<1x128xf32, #tpu.memory_space<vmem>>, %arg8: memref<640x128xf32, #tpu.memory_space<vmem>>) attributes {dimension_semantics = [#tpu.dimension_semantics<arbitrary>], iteration_bounds = array<i64: 16>, scalar_prefetch = 0 : i64, scratch_operands = 0 : i64, tpu.core_type = #tpu.core_type<tc>, window_params = [{transform_indices = @transform_0, window_bounds = array<i64: 2, 640, 128>}, {transform_indices = @transform_1, window_bounds = array<i64: 640, 128>}, {pipeline_mode = #tpu.pipeline_mode<synchronous>, transform_indices = @transform_2, window_bounds = array<i64: 1, 1>}, {pipeline_mode = #tpu.pipeline_mode<synchronous>, transform_indices = @transform_3, window_bounds = array<i64: 128, 128>}, {pipeline_mode = #tpu.pipeline_mode<synchronous>, transform_indices = @transform_4, window_bounds = array<i64: 1, 128>}, {pipeline_mode = #tpu.pipeline_mode<synchronous>, transform_indices = @transform_5, window_bounds = array<i64: 128, 128>}, {pipeline_mode = #tpu.pipeline_mode<synchronous>, transform_indices = @transform_6, window_bounds = array<i64: 1, 128>}, {transform_indices = @transform_7, window_bounds = array<i64: 640, 128>}]} {
    %get3A = arith.constant 0 : index
    %get3A_0 = arith.constant 0 : index
    %get3A_1 = arith.constant 0 : index
    %get3A_2 = vector.load %arg1[%get3A, %get3A_0, %get3A_1] : memref<2x640x128xf32, #tpu.memory_space<vmem>>, vector<1x640x128xf32>
    %get3A_3 = vector.shape_cast %get3A_2 : vector<1x640x128xf32> to vector<640x128xf32>
    %get3A_4 = arith.constant 1 : index
    %get3A_5 = arith.constant 0 : index
    %get3A_6 = arith.constant 0 : index
    %get3A_7 = vector.load %arg1[%get3A_4, %get3A_5, %get3A_6] : memref<2x640x128xf32, #tpu.memory_space<vmem>>, vector<1x640x128xf32>
    %get3A_8 = vector.shape_cast %get3A_7 : vector<1x640x128xf32> to vector<640x128xf32>
    %add3A = arith.addf %get3A_3, %get3A_8 : vector<640x128xf32>
    %get3A_9 = arith.constant 0 : index
    %get3A_10 = arith.constant 0 : index
    %get3A_11 = vector.load %arg3[%get3A_9, %get3A_10] : memref<1x1xf32, #tpu.memory_space<vmem>>, vector<1x1xf32>
    %get3A_12 = vector.extract %get3A_11[0, 0] : f32 from vector<1x1xf32>
    %add3A_13 = arith.constant 1.000000e+00 : f32
    %add3A_14 = arith.addf %add3A_13, %get3A_12 : f32
    %get3A_15 = arith.constant 0 : index
    %get3A_16 = arith.constant 0 : index
    %get3A_17 = vector.load %arg2[%get3A_15, %get3A_16] : memref<640x128xf32, #tpu.memory_space<vmem>>, vector<640x128xf32>
    %mul3A = vector.broadcast %add3A_14 : f32 to vector<640x128xf32>
    %mul3A_18 = arith.mulf %mul3A, %get3A_17 : vector<640x128xf32>
    %add3A_19 = arith.addf %add3A, %mul3A_18 : vector<640x128xf32>
    %get3A_20 = arith.constant 0 : index
    %get3A_21 = arith.constant 0 : index
    %get3A_22 = vector.load %arg4[%get3A_20, %get3A_21] : memref<128x128xf32, #tpu.memory_space<vmem>>, vector<128x128xf32>
    %dot_general3A = arith.constant dense<0.000000e+00> : vector<640x128xf32>
    %dot_general3A_23 = tpu.matmul %add3A_19, %get3A_22, %dot_general3A {dimension_numbers = #tpu.dot_dimension_numbers<[1], [0], [0], [1], [0, 0, 1, 1], [], []>, transpose_lhs_hint = false} : vector<640x128xf32>, vector<128x128xf32>, vector<640x128xf32> -> vector<640x128xf32>
    %get3A_24 = arith.constant 0 : index
    %get3A_25 = arith.constant 0 : index
    %get3A_26 = vector.load %arg5[%get3A_24, %get3A_25] : memref<1x128xf32, #tpu.memory_space<vmem>>, vector<1x128xf32>
    %add3A_27 = vector.broadcast %get3A_26 : vector<1x128xf32> to vector<640x128xf32>
    %add3A_28 = arith.addf %dot_general3A_23, %add3A_27 : vector<640x128xf32>
    %max3A = arith.constant 0.000000e+00 : f32
    %max3A_29 = vector.broadcast %max3A : f32 to vector<640x128xf32>
    %max3A_30 = arith.maximumf %add3A_28, %max3A_29 : vector<640x128xf32>
    %get3A_31 = arith.constant 0 : index
    %get3A_32 = arith.constant 0 : index
    %get3A_33 = vector.load %arg6[%get3A_31, %get3A_32] : memref<128x128xf32, #tpu.memory_space<vmem>>, vector<128x128xf32>
    %dot_general3A_34 = arith.constant dense<0.000000e+00> : vector<640x128xf32>
    %dot_general3A_35 = tpu.matmul %max3A_30, %get3A_33, %dot_general3A_34 {dimension_numbers = #tpu.dot_dimension_numbers<[1], [0], [0], [1], [0, 0, 1, 1], [], []>, transpose_lhs_hint = false} : vector<640x128xf32>, vector<128x128xf32>, vector<640x128xf32> -> vector<640x128xf32>
    %get3A_36 = arith.constant 0 : index
    %get3A_37 = arith.constant 0 : index
    %get3A_38 = vector.load %arg7[%get3A_36, %get3A_37] : memref<1x128xf32, #tpu.memory_space<vmem>>, vector<1x128xf32>
    %add3A_39 = vector.broadcast %get3A_38 : vector<1x128xf32> to vector<640x128xf32>
    %add3A_40 = arith.addf %dot_general3A_35, %add3A_39 : vector<640x128xf32>
    %swap3A = arith.constant 0 : index
    %swap3A_41 = arith.constant 0 : index
    %swap3A_42 = vector.load %arg8[%swap3A, %swap3A_41] : memref<640x128xf32, #tpu.memory_space<vmem>>, vector<640x128xf32>
    tpu.vector_store %arg8[%swap3A, %swap3A_41], %add3A_40 {strides = array<i32>} : memref<640x128xf32, #tpu.memory_space<vmem>>, vector<640x128xf32>,
    return
  }
  func.func @transform_0(%arg0: i32) -> (i32, i32, i32) {
    %c0_i32 = arith.constant 0 : i32
    %c0_i32_0 = arith.constant 0 : i32
    %c0_i32_1 = arith.constant 0 : i32
    return %c0_i32, %arg0, %c0_i32_0 : i32, i32, i32
  }
  func.func @transform_1(%arg0: i32) -> (i32, i32) {
    %c0_i32 = arith.constant 0 : i32
    %c0_i32_0 = arith.constant 0 : i32
    return %arg0, %c0_i32 : i32, i32
  }
  func.func @transform_2(%arg0: i32) -> (i32, i32) {
    %c0_i32 = arith.constant 0 : i32
    %c0_i32_0 = arith.constant 0 : i32
    %c0_i32_1 = arith.constant 0 : i32
    return %c0_i32, %c0_i32_0 : i32, i32
  }
  func.func @transform_3(%arg0: i32) -> (i32, i32) {
    %c0_i32 = arith.constant 0 : i32
    %c0_i32_0 = arith.constant 0 : i32
    %c0_i32_1 = arith.constant 0 : i32
    return %c0_i32, %c0_i32_0 : i32, i32
  }
  func.func @transform_4(%arg0: i32) -> (i32, i32) {
    %c0_i32 = arith.constant 0 : i32
    %c0_i32_0 = arith.constant 0 : i32
    %c0_i32_1 = arith.constant 0 : i32
    return %c0_i32, %c0_i32_0 : i32, i32
  }
  func.func @transform_5(%arg0: i32) -> (i32, i32) {
    %c0_i32 = arith.constant 0 : i32
    %c0_i32_0 = arith.constant 0 : i32
    %c0_i32_1 = arith.constant 0 : i32
    return %c0_i32, %c0_i32_0 : i32, i32
  }
  func.func @transform_6(%arg0: i32) -> (i32, i32) {
    %c0_i32 = arith.constant 0 : i32
    %c0_i32_0 = arith.constant 0 : i32
    %c0_i32_1 = arith.constant 0 : i32
    return %c0_i32, %c0_i32_0 : i32, i32
  }
  func.func @transform_7(%arg0: i32) -> (i32, i32) {
    %c0_i32 = arith.constant 0 : i32
    %c0_i32_0 = arith.constant 0 : i32
    return %arg0, %c0_i32 : i32, i32
  }
}

module attributes {stable_mosaic.version = 14 : i64} {
  func.func @_mlp1_final_body(%arg0: i32, %arg1: memref<2x640x128xf32, #tpu.memory_space<vmem>>, %arg2: memref<640x128xf32, #tpu.memory_space<vmem>>, %arg3: memref<1x1xf32, #tpu.memory_space<vmem>>, %arg4: memref<128x128xf32, #tpu.memory_space<vmem>>, %arg5: memref<1x128xf32, #tpu.memory_space<vmem>>, %arg6: memref<128x128xf32, #tpu.memory_space<vmem>>, %arg7: memref<1x128xf32, #tpu.memory_space<vmem>>, %arg8: memref<128x128xf32, #tpu.memory_space<vmem>>, %arg9: memref<1x128xf32, #tpu.memory_space<vmem>>, %arg10: memref<128x128xf32, #tpu.memory_space<vmem>>, %arg11: memref<1x128xf32, #tpu.memory_space<vmem>>, %arg12: memref<640x128xf32, #tpu.memory_space<vmem>>) attributes {dimension_semantics = [#tpu.dimension_semantics<arbitrary>], iteration_bounds = array<i64: 16>, scalar_prefetch = 0 : i64, scratch_operands = 0 : i64, tpu.core_type = #tpu.core_type<tc>, window_params = [{transform_indices = @transform_0, window_bounds = array<i64: 2, 640, 128>}, {transform_indices = @transform_1, window_bounds = array<i64: 640, 128>}, {pipeline_mode = #tpu.pipeline_mode<synchronous>, transform_indices = @transform_2, window_bounds = array<i64: 1, 1>}, {pipeline_mode = #tpu.pipeline_mode<synchronous>, transform_indices = @transform_3, window_bounds = array<i64: 128, 128>}, {pipeline_mode = #tpu.pipeline_mode<synchronous>, transform_indices = @transform_4, window_bounds = array<i64: 1, 128>}, {pipeline_mode = #tpu.pipeline_mode<synchronous>, transform_indices = @transform_5, window_bounds = array<i64: 128, 128>}, {pipeline_mode = #tpu.pipeline_mode<synchronous>, transform_indices = @transform_6, window_bounds = array<i64: 1, 128>}, {pipeline_mode = #tpu.pipeline_mode<synchronous>, transform_indices = @transform_7, window_bounds = array<i64: 128, 128>}, {pipeline_mode = #tpu.pipeline_mode<synchronous>, transform_indices = @transform_8, window_bounds = array<i64: 1, 128>}, {pipeline_mode = #tpu.pipeline_mode<synchronous>, transform_indices = @transform_9, window_bounds = array<i64: 128, 128>}, {pipeline_mode = #tpu.pipeline_mode<synchronous>, transform_indices = @transform_10, window_bounds = array<i64: 1, 128>}, {transform_indices = @transform_11, window_bounds = array<i64: 640, 128>}]} {
    %get3A = arith.constant 0 : index
    %get3A_0 = arith.constant 0 : index
    %get3A_1 = arith.constant 0 : index
    %get3A_2 = vector.load %arg1[%get3A, %get3A_0, %get3A_1] : memref<2x640x128xf32, #tpu.memory_space<vmem>>, vector<1x640x128xf32>
    %get3A_3 = vector.shape_cast %get3A_2 : vector<1x640x128xf32> to vector<640x128xf32>
    %get3A_4 = arith.constant 1 : index
    %get3A_5 = arith.constant 0 : index
    %get3A_6 = arith.constant 0 : index
    %get3A_7 = vector.load %arg1[%get3A_4, %get3A_5, %get3A_6] : memref<2x640x128xf32, #tpu.memory_space<vmem>>, vector<1x640x128xf32>
    %get3A_8 = vector.shape_cast %get3A_7 : vector<1x640x128xf32> to vector<640x128xf32>
    %add3A = arith.addf %get3A_3, %get3A_8 : vector<640x128xf32>
    %get3A_9 = arith.constant 0 : index
    %get3A_10 = arith.constant 0 : index
    %get3A_11 = vector.load %arg3[%get3A_9, %get3A_10] : memref<1x1xf32, #tpu.memory_space<vmem>>, vector<1x1xf32>
    %get3A_12 = vector.extract %get3A_11[0, 0] : f32 from vector<1x1xf32>
    %add3A_13 = arith.constant 1.000000e+00 : f32
    %add3A_14 = arith.addf %add3A_13, %get3A_12 : f32
    %get3A_15 = arith.constant 0 : index
    %get3A_16 = arith.constant 0 : index
    %get3A_17 = vector.load %arg2[%get3A_15, %get3A_16] : memref<640x128xf32, #tpu.memory_space<vmem>>, vector<640x128xf32>
    %mul3A = vector.broadcast %add3A_14 : f32 to vector<640x128xf32>
    %mul3A_18 = arith.mulf %mul3A, %get3A_17 : vector<640x128xf32>
    %add3A_19 = arith.addf %add3A, %mul3A_18 : vector<640x128xf32>
    %get3A_20 = arith.constant 0 : index
    %get3A_21 = arith.constant 0 : index
    %get3A_22 = vector.load %arg4[%get3A_20, %get3A_21] : memref<128x128xf32, #tpu.memory_space<vmem>>, vector<128x128xf32>
    %dot_general3A = arith.constant dense<0.000000e+00> : vector<640x128xf32>
    %dot_general3A_23 = tpu.matmul %add3A_19, %get3A_22, %dot_general3A {dimension_numbers = #tpu.dot_dimension_numbers<[1], [0], [0], [1], [0, 0, 1, 1], [], []>, transpose_lhs_hint = false} : vector<640x128xf32>, vector<128x128xf32>, vector<640x128xf32> -> vector<640x128xf32>
    %get3A_24 = arith.constant 0 : index
    %get3A_25 = arith.constant 0 : index
    %get3A_26 = vector.load %arg5[%get3A_24, %get3A_25] : memref<1x128xf32, #tpu.memory_space<vmem>>, vector<1x128xf32>
    %add3A_27 = vector.broadcast %get3A_26 : vector<1x128xf32> to vector<640x128xf32>
    %add3A_28 = arith.addf %dot_general3A_23, %add3A_27 : vector<640x128xf32>
    %max3A = arith.constant 0.000000e+00 : f32
    %max3A_29 = vector.broadcast %max3A : f32 to vector<640x128xf32>
    %max3A_30 = arith.maximumf %add3A_28, %max3A_29 : vector<640x128xf32>
    %get3A_31 = arith.constant 0 : index
    %get3A_32 = arith.constant 0 : index
    %get3A_33 = vector.load %arg6[%get3A_31, %get3A_32] : memref<128x128xf32, #tpu.memory_space<vmem>>, vector<128x128xf32>
    %dot_general3A_34 = arith.constant dense<0.000000e+00> : vector<640x128xf32>
    %dot_general3A_35 = tpu.matmul %max3A_30, %get3A_33, %dot_general3A_34 {dimension_numbers = #tpu.dot_dimension_numbers<[1], [0], [0], [1], [0, 0, 1, 1], [], []>, transpose_lhs_hint = false} : vector<640x128xf32>, vector<128x128xf32>, vector<640x128xf32> -> vector<640x128xf32>
    %get3A_36 = arith.constant 0 : index
    %get3A_37 = arith.constant 0 : index
    %get3A_38 = vector.load %arg7[%get3A_36, %get3A_37] : memref<1x128xf32, #tpu.memory_space<vmem>>, vector<1x128xf32>
    %add3A_39 = vector.broadcast %get3A_38 : vector<1x128xf32> to vector<640x128xf32>
    %add3A_40 = arith.addf %dot_general3A_35, %add3A_39 : vector<640x128xf32>
    %get3A_41 = arith.constant 0 : index
    %get3A_42 = arith.constant 0 : index
    %get3A_43 = vector.load %arg8[%get3A_41, %get3A_42] : memref<128x128xf32, #tpu.memory_space<vmem>>, vector<128x128xf32>
    %dot_general3A_44 = arith.constant dense<0.000000e+00> : vector<640x128xf32>
    %dot_general3A_45 = tpu.matmul %add3A_40, %get3A_43, %dot_general3A_44 {dimension_numbers = #tpu.dot_dimension_numbers<[1], [0], [0], [1], [0, 0, 1, 1], [], []>, transpose_lhs_hint = false} : vector<640x128xf32>, vector<128x128xf32>, vector<640x128xf32> -> vector<640x128xf32>
    %get3A_46 = arith.constant 0 : index
    %get3A_47 = arith.constant 0 : index
    %get3A_48 = vector.load %arg9[%get3A_46, %get3A_47] : memref<1x128xf32, #tpu.memory_space<vmem>>, vector<1x128xf32>
    %add3A_49 = vector.broadcast %get3A_48 : vector<1x128xf32> to vector<640x128xf32>
    %add3A_50 = arith.addf %dot_general3A_45, %add3A_49 : vector<640x128xf32>
    %max3A_51 = arith.constant 0.000000e+00 : f32
    %max3A_52 = vector.broadcast %max3A_51 : f32 to vector<640x128xf32>
    %max3A_53 = arith.maximumf %add3A_50, %max3A_52 : vector<640x128xf32>
    %get3A_54 = arith.constant 0 : index
    %get3A_55 = arith.constant 0 : index
    %get3A_56 = vector.load %arg10[%get3A_54, %get3A_55] : memref<128x128xf32, #tpu.memory_space<vmem>>, vector<128x128xf32>
    %dot_general3A_57 = arith.constant dense<0.000000e+00> : vector<640x128xf32>
    %dot_general3A_58 = tpu.matmul %max3A_53, %get3A_56, %dot_general3A_57 {dimension_numbers = #tpu.dot_dimension_numbers<[1], [0], [0], [1], [0, 0, 1, 1], [], []>, transpose_lhs_hint = false} : vector<640x128xf32>, vector<128x128xf32>, vector<640x128xf32> -> vector<640x128xf32>
    %get3A_59 = arith.constant 0 : index
    %get3A_60 = arith.constant 0 : index
    %get3A_61 = vector.load %arg11[%get3A_59, %get3A_60] : memref<1x128xf32, #tpu.memory_space<vmem>>, vector<1x128xf32>
    %add3A_62 = vector.broadcast %get3A_61 : vector<1x128xf32> to vector<640x128xf32>
    %add3A_63 = arith.addf %dot_general3A_58, %add3A_62 : vector<640x128xf32>
    %swap3A = arith.constant 0 : index
    %swap3A_64 = arith.constant 0 : index
    %swap3A_65 = vector.load %arg12[%swap3A, %swap3A_64] : memref<640x128xf32, #tpu.memory_space<vmem>>, vector<640x128xf32>
    tpu.vector_store %arg12[%swap3A, %swap3A_64], %add3A_63 {strides = array<i32>} : memref<640x128xf32, #tpu.memory_space<vmem>>, vector<640x128xf32>,
    return
  }
  func.func @transform_0(%arg0: i32) -> (i32, i32, i32) {
    %c0_i32 = arith.constant 0 : i32
    %c0_i32_0 = arith.constant 0 : i32
    %c0_i32_1 = arith.constant 0 : i32
    return %c0_i32, %arg0, %c0_i32_0 : i32, i32, i32
  }
  func.func @transform_1(%arg0: i32) -> (i32, i32) {
    %c0_i32 = arith.constant 0 : i32
    %c0_i32_0 = arith.constant 0 : i32
    return %arg0, %c0_i32 : i32, i32
  }
  func.func @transform_2(%arg0: i32) -> (i32, i32) {
    %c0_i32 = arith.constant 0 : i32
    %c0_i32_0 = arith.constant 0 : i32
    %c0_i32_1 = arith.constant 0 : i32
    return %c0_i32, %c0_i32_0 : i32, i32
  }
  func.func @transform_3(%arg0: i32) -> (i32, i32) {
    %c0_i32 = arith.constant 0 : i32
    %c0_i32_0 = arith.constant 0 : i32
    %c0_i32_1 = arith.constant 0 : i32
    return %c0_i32, %c0_i32_0 : i32, i32
  }
  func.func @transform_4(%arg0: i32) -> (i32, i32) {
    %c0_i32 = arith.constant 0 : i32
    %c0_i32_0 = arith.constant 0 : i32
    %c0_i32_1 = arith.constant 0 : i32
    return %c0_i32, %c0_i32_0 : i32, i32
  }
  func.func @transform_5(%arg0: i32) -> (i32, i32) {
    %c0_i32 = arith.constant 0 : i32
    %c0_i32_0 = arith.constant 0 : i32
    %c0_i32_1 = arith.constant 0 : i32
    return %c0_i32, %c0_i32_0 : i32, i32
  }
  func.func @transform_6(%arg0: i32) -> (i32, i32) {
    %c0_i32 = arith.constant 0 : i32
    %c0_i32_0 = arith.constant 0 : i32
    %c0_i32_1 = arith.constant 0 : i32
    return %c0_i32, %c0_i32_0 : i32, i32
  }
  func.func @transform_7(%arg0: i32) -> (i32, i32) {
    %c0_i32 = arith.constant 0 : i32
    %c0_i32_0 = arith.constant 0 : i32
    %c0_i32_1 = arith.constant 0 : i32
    return %c0_i32, %c0_i32_0 : i32, i32
  }
  func.func @transform_8(%arg0: i32) -> (i32, i32) {
    %c0_i32 = arith.constant 0 : i32
    %c0_i32_0 = arith.constant 0 : i32
    %c0_i32_1 = arith.constant 0 : i32
    return %c0_i32, %c0_i32_0 : i32, i32
  }
  func.func @transform_9(%arg0: i32) -> (i32, i32) {
    %c0_i32 = arith.constant 0 : i32
    %c0_i32_0 = arith.constant 0 : i32
    %c0_i32_1 = arith.constant 0 : i32
    return %c0_i32, %c0_i32_0 : i32, i32
  }
  func.func @transform_10(%arg0: i32) -> (i32, i32) {
    %c0_i32 = arith.constant 0 : i32
    %c0_i32_0 = arith.constant 0 : i32
    %c0_i32_1 = arith.constant 0 : i32
    return %c0_i32, %c0_i32_0 : i32, i32
  }
  func.func @transform_11(%arg0: i32) -> (i32, i32) {
    %c0_i32 = arith.constant 0 : i32
    %c0_i32_0 = arith.constant 0 : i32
    return %arg0, %c0_i32 : i32, i32
  }
}

</mosaic_0001>

<sc_bundles>
// kernel: kernel.6.cloned.1.call-start
scs
__scs_entry_jumppad:
0x0: {  	(pc) =	sbr.rel $0x88, $3  }
0x1: {  	(tag) =	ssettag $0x0;
	lr =	simm.s32 $0x1  }
0x2: {  	[smem:$0x3F91] =	sst lr;
	_ =	strace $0xD0000000  }
0x3: {  	_ = 	snop  }
0x4: {  	_ = 	snop  }
0x5: {  	_ = 	snop  }
0x6: {  	_ = 	snop  }
0x7: {  	_ = 	snop  }
__scs_overlays_trampoline_lowered:
0x8: {  	[smem:$0x3FA0] =	sst s0  }
0x9: {  	[smem:$0x3FA1] =	sst s1  }
0xa: {  	[smem:$0x3FA2] =	sst s2  }
0xb: {  	[smem:$0x3FA3] =	sst s3  }
0xc: {  	[smem:$0x3FA4] =	sst s4  }
0xd: {  	[smem:$0x3FA5] =	sst s5  }
0xe: {  	[smem:$0x3FA6] =	sst s6  }
0xf: {  	[smem:$0x3FA7] =	sst s7  }
0x10: {  	[smem:$0x3FA8] =	sst s8  }
0x11: {  	[smem:$0x3FA9] =	sst s9;
	s0 =	simm.s32 @!p0 $0x0  }
0x12: {  	s1 =	sld [smem:$0x3F8F];
	s0 =	simm.s32 @p0 $0x1  }
0x13: {  	[smem:$0x3FAA] =	sst s0;
	s0 =	simm.s32 @!p1 $0x0  }
0x14: {  	s2 =	sld [smem:$0x3F8E];
	s0 =	simm.s32 @p1 $0x1  }
0x15: {  	[smem:$0x3FAB] =	sst s0;
	s0 =	simm.s32 @!p2 $0x0  }
0x16: {  	s3 =	sld [smem:$0x3FDB];
	s0 =	simm.s32 @p2 $0x1  }
0x17: {  	s4 =	simm.s32 $0x1BF5;
	[smem:$0x3FAD] =	sst s0  }
0x18: {  	s0 =	sld [smem:$0x3F90];
	_ =	swait.ge [sflag:s4], $0x0  }
0x19: {  	s7 =	sld [smem:$0x3F91]  }
0x1a: {  	s8 =	sadd.s32 $0xFFFFE003, lr  }
0x1b: {  	s9 =	sadd.s32 $0xFFFFFEF7, lr;
	s5 =	simm.s32 $0xFFFFFFFF;
	p2 =	slt.u32 s8, $0xFFFFF086  }
0x1c: {  	p1 =	slt.u32 s9, $0xF7A;
	s5 =	simm.s32 @!p2 $0x0  }
0x1d: {  	s5 =	simm.s32 @p1 $0x1;
	p0 =	seq.s32 s7, s2  }
0x1e: {  	s7 =	smul.u32 @!p0 $0xF7A, s2;
	p2 =	seq.s32 @!p0 s5, $0x0  }
0x1f: {  	s9 =	smul.u32 $0xF7A, s1;
	s8 =	simm.s32 @!p0 $0x1BF5;
	p2 =	por !p2, p0  }
0x20: {  	[sflag:s8] =	ssyncset.s32 @!p0 $0xFFFFF086;
	s6 =	sadd.s32 @!p0 s3, s7;
	s7 =	simm.s32 @!p0 $0x108  }
0x21: {  	s3 =	sadd.s32 s3, s9;
	s6 =	sadd.s32 @!p0 $0x88, s6;
	s7 =	simm.s32 @p2 $0x1082  }
0x22: {  	[simem:s7], [sflag:s8] =	dma.local @!p0 [hbm:s6], $0xF7A  }
0x23: {  	s9 =	sor.u32 $0xD0000000, s2;
	s6 =	simm.s32 $0x108;
	_ =	swait.ge @!p0 [sflag:s8], $0x0  }
0x24: {  	s3 =	sadd.s32 $0x88, s3;
	s6 =	simm.s32 @!p1 $0x1082;
	[sflag:s4] =	ssyncset.s32 $0xFFFFF086  }
0x25: {  	[simem:s6], [sflag:s4] =	dma.local [hbm:s3], $0xF7A  }
0x26: {  	[smem:$0x3F91] =	sst s1;
	(tag) =	ssettag s2;
	_ =	strace s9  }
0x27: {  	s1 =	sld [smem:$0x3FA1]  }
0x28: {  	s2 =	sld [smem:$0x3FA2]  }
0x29: {  	s4 =	sld [smem:$0x3FA4]  }
0x2a: {  	p0 =	seq.s32 s5, $0x0;
	s5 =	sld [smem:$0x3FA5]  }
0x2b: {  	s6 =	sld [smem:$0x3FA6]  }
0x2c: {  	s7 =	sld [smem:$0x3FA7]  }
0x2d: {  	s3 =	simm.s32 $0x108;
	s8 =	sld [smem:$0x3FA8]  }
0x2e: {  	s3 =	simm.s32 @!p0 $0x1082;
	s9 =	sld [smem:$0x3FA9]  }
0x2f: {  	lr =	sadd.s32 s0, s3;
	s0 =	sld [smem:$0x3FA0]  }
0x30: {  	s3 =	sld [smem:$0x3FA3]  }
0x31: {  	[smem:$0x3FAC] =	sst s10  }
0x32: {  	s10 =	sld [smem:$0x3FAA];
	_ =	sdelay $0x3  }
0x33: {  	p0 =	seq.s32 s10, $0x1;
	s10 =	sld [smem:$0x3FAC];
	_ =	sdelay $0x3  }
0x34: {  	[smem:$0x3FAC] =	sst s10  }
0x35: {  	s10 =	sld [smem:$0x3FAB];
	_ =	sdelay $0x3  }
0x36: {  	p1 =	seq.s32 s10, $0x1;
	s10 =	sld [smem:$0x3FAC];
	_ =	sdelay $0x3  }
0x37: {  	[smem:$0x3FAC] =	sst s10  }
0x38: {  	s10 =	sld [smem:$0x3FAD]  }
0x39: {  	_ = 	snop;
	(pc) =	sbr.ind lr, $3  }
0x3a: {  	_ = 	snop  }
0x3b: {  	_ = 	snop  }
0x3c: {  	p2 =	seq.s32 s10, $0x1;
	s10 =	sld [smem:$0x3FAC]  }
0x3d: {  	_ =	shalt  }
0x3e: {  	_ =	shalt  }
0x3f: {  	_ =	shalt  }
0x40: {  	_ =	shalt  }
0x41: {  	_ =	shalt  }
0x42: {  	_ =	shalt  }
0x43: {  	_ =	shalt  }
0x44: {  	_ =	shalt  }
0x45: {  	_ =	shalt  }
0x46: {  	_ =	shalt  }
0x47: {  	_ =	shalt  }
0x48: {  	_ =	shalt  }
0x49: {  	_ =	shalt  }
0x4a: {  	_ =	shalt  }
0x4b: {  	_ =	shalt  }
0x4c: {  	_ =	shalt  }
0x4d: {  	_ =	shalt  }
0x4e: {  	_ =	shalt  }
0x4f: {  	_ =	shalt  }
0x50: {  	_ =	shalt  }
0x51: {  	_ =	shalt  }
0x52: {  	_ =	shalt  }
0x53: {  	_ =	shalt  }
0x54: {  	_ =	shalt  }
0x55: {  	_ =	shalt  }
0x56: {  	_ =	shalt  }
0x57: {  	_ =	shalt  }
0x58: {  	_ =	shalt  }
0x59: {  	_ =	shalt  }
0x5a: {  	_ =	shalt  }
0x5b: {  	_ =	shalt  }
0x5c: {  	_ =	shalt  }
0x5d: {  	_ =	shalt  }
0x5e: {  	_ =	shalt  }
0x5f: {  	_ =	shalt  }
0x60: {  	_ =	shalt  }
0x61: {  	_ =	shalt  }
0x62: {  	_ =	shalt  }
0x63: {  	_ =	shalt  }
0x64: {  	_ =	shalt  }
0x65: {  	_ =	shalt  }
0x66: {  	_ =	shalt  }
0x67: {  	_ =	shalt  }
0x68: {  	_ =	shalt  }
0x69: {  	_ =	shalt  }
0x6a: {  	_ =	shalt  }
0x6b: {  	_ =	shalt  }
0x6c: {  	_ =	shalt  }
0x6d: {  	_ =	shalt  }
0x6e: {  	_ =	shalt  }
0x6f: {  	_ =	shalt  }
0x70: {  	_ =	shalt  }
0x71: {  	_ =	shalt  }
0x72: {  	_ =	shalt  }
0x73: {  	_ =	shalt  }
0x74: {  	_ =	shalt  }
0x75: {  	_ =	shalt  }
0x76: {  	_ =	shalt  }
0x77: {  	_ =	shalt  }
0x78: {  	_ =	shalt  }
0x79: {  	_ =	shalt  }
0x7a: {  	_ =	shalt  }
0x7b: {  	_ =	shalt  }
0x7c: {  	_ =	shalt  }
0x7d: {  	_ =	shalt  }
0x7e: {  	_ =	shalt  }
0x7f: {  	_ =	shalt  }
0x80: {  	_ =	shalt  }
0x81: {  	_ =	shalt  }
0x82: {  	_ =	shalt  }
0x83: {  	_ =	shalt  }
0x84: {  	_ =	shalt  }
0x85: {  	_ =	shalt  }
0x86: {  	_ =	shalt  }
0x87: {  	_ =	shalt  }
.Lfunc_end0:
.L_simem_size_0:
called_computation_lowered:
.L_overlay_start_0:
0x88: {  	s2 =	sld [smem:$0x3FD9]  }
0x89: {  	s3 =	sld [smem:$0x3FFE];
	_ =	sdelay $0x1  }
0x8a: {  	s1 =	srdreg.scid  }
0x8b: {  	s0 =	sand.u32 $0x1, s1  }
0x8c: {  	s17 =	sshll.u32 s0, $0xA;
	s2 =	sadd.s32 s3, s2  }
0x8d: {  	s2 =	sadd.s32 s2, s17  }
0x8e: {  	[smem:$0x3FB8] =	sst s2  }
0x8f: {  	_ = 	snop  }
0x90: {  	s2 =	sld [smem:$0x3FD0];
	(tm) =	ssettm $0x1  }
0x91: {  	s18 =	sld [smem:$0x3FFB];
	_ =	sdelay $0x3  }
0x92: {  	_ =	strace s18  }
0x93: {  	s3 =	sld [smem:$0x3FFC];
	_ =	sdelay $0x3  }
0x94: {  	_ =	strace s3  }
0x95: {  	s3 =	sld [smem:$0x3FFD];
	_ =	sdelay $0x3  }
0x96: {  	_ =	strace s3  }
0x97: {  	_ =	strace $0x8FFFFFFF  }
0x98: {  	s19 =	sld [smem:$0x3FDB];
	_ =	sdelay $0x1  }
0x99: {  	s4 =	simm.s32 $_scs_section_size  }
0x9a: {  	s5 =	simm.s32 $_size__tile_overlayer_lowered;
	s6 =	simm.s32 $_tile_overlayer_lowered  }
0x9b: {  	s22 =	simm.s32 $0x1BFF;
	s21 =	sshll.u32 s6, $0x1;
	s3 =	sadd.s32 s4, s19  }
0x9c: {  	s7 =	simm.s32 $0x0;
	s20 =	sshll.u32 s5, $0x1;
	s5 =	sadd.s32 s21, s3  }
0x9d: {  	[timem:s7], [sflag:s22] =	dma.local [hbm:s5], s20  }
0x9e: {  	_ =	swait.ge [sflag:s22], s20  }
0x9f: {  	s4 =	ssub.s32 $0x0, s20;
	[sflag:s22] =	ssyncset.done $0x0  }
0xa0: {  	[sflag:s22] =	ssyncadd.s32 s4;
	_ =	sdelay $0x1  }
0xa1: {  	s23 =	simm.s32 $0x1B8B  }
0xa2: {  	_ =	swait.ge [sflag:s23], $0x1  }
0xa3: {  	[sflag:s23] =	ssyncset.done $0x0  }
0xa4: {  	s25 =	simm.s32 $0x1B8E;
	s24 =	sld [smem:$0x3FFE];
	[sflag:s23] =	ssyncadd.s32 $0xFFFFFFFF  }
0xa5: {  	s26 =	simm.s32 $execute0_lowered;
	[smem:$0x3FD2] =	sst s25  }
0xa6: {  	s5 =	sshll.u32 s26, $0x1;
	_ =	strace $0x80000046;
	[dreg:$0x1] =	wrdreg $0xFFFFFFFF  }
0xa7: {  	s28 =	simm.s32 $_size_execute0_lowered;
	s3 =	sadd.s32 s3, s5;
	[dreg:$0x0] =	wrdreg $0x0  }
0xa8: {  	s5 =	sshll.u32 s28, $0x1;
	[dreg:$0x2] =	wrdreg s3  }
0xa9: {  	[dreg:$0x3] =	wrdreg s5  }
0xaa: {  	[dreg:$0x4] =	wrdreg $0xC0  }
0xab: {  	_ =	task [dreg:s7], $0x5FFFF  }
0xac: {  	[dreg:$0x1] =	wrdreg $0xFFFFFFFF  }
0xad: {  	[dreg:$0x0] =	wrdreg $0x60  }
0xae: {  	[dreg:$0x2] =	wrdreg s24  }
0xaf: {  	[dreg:$0x3] =	wrdreg s2  }
0xb0: {  	[dreg:$0x4] =	wrdreg $0x29000  }
0xb1: {  	[dreg:$0x5] =	wrdreg $0x9  }
0xb2: {  	_ =	task.clear_ibuf [dreg:s7], $0x6FFFF;
	_ =	strace $0x90000046  }
0xb3: {  	s29 =	simm.s32 $0x9;
	_ =	strace $0x80000048  }
0xb4: {  	_ =	swait.ge [sflag:s29], $0x1  }
0xb5: {  	[sflag:s29] =	ssyncadd.s32 $0xFFFFFFFF  }
0xb6: {  	_ =	strace $0x90000048  }
0xb7: {  	_ =	sfence  }
0xb8: {  	s30 =	sld [smem:$0x0];
	_ =	sdelay $0x2  }
0xb9: {  	s31 =	sshll.u32 s1, $0xD;
	s1 =	sshrl.u32 s1, $0x2  }
0xba: {  	s3 =	sand.u32 $0x4000, s31;
	s1 =	sadd.s32 s1, s30  }
0xbb: {  	s0 =	sor.u32 s3, s0;
	s1 =	sshll.u32 s1, $0x11  }
0xbc: {  	s0 =	sor.u32 s1, s0  }
0xbd: {  	s0 =	sadd.s32 $0x8F2B, s0  }
0xbe: {  	[sflag:s0] =	ssyncadd.remote.s32 $0x1  }
0xbf: {  	_ =	sfence.sel $0xFFFF  }
0xc0: {  	[dreg:$0x0] =	wrdreg $0xFFFFFFFF;
	(pc) =	sbr.abs _section_cstart, $3  }
0xc1: {  	[dreg:$0x1] =	wrdreg $0xFFFFFFFF  }
0xc2: {  	_ =	task.clear_ibuf [dreg:s7], $0x2FFFF;
	_ =	strace $0x9FFFFFFF  }
0xc3: {  	(tm) =	ssettm $0x7FFFFFFF  }
tec
execute0_lowered:
.L_overlay_start_1:
0x0: {  	(tag) =	ssettag $0x1  }
0x1: {  	s6 =	rddreg [dreg:$0x0]  }
0x2: {  	s1 =	srdreg.scid;
	s9 =	rddreg [dreg:$0x1]  }
0x3: {  	s0 =	stileid.u32;
	s2 =	rddreg [dreg:$0x2]  }
0x4: {  	s3 =	simm.s32 $0x0;
	s15 =	simm.s32 $0x100;
	s4 =	smul.u32 $0x4E20, s0  }
0x5: {  	s16 =	simm.s32 $0x1;
	s17 =	simm.s32 $0x0;
	s8 =	smul.u32 $0x280, s0  }
0x6: {  	s7 =	sand.u32 $0x1, s1;
	s1 =	rddreg [dreg:$0x3];
	s29 =	smul.u32 $0x50000, s0  }
0x7: {  	[smem:$0x7FF] =	sst s3;
	s31 =	sshll.u32 s0, $0x6;
	s5 =	smul.u32 $0x2710, s7  }
0x8: {  	s10 =	smul.u32 $0x2800, s7;
	_ =	strace $0x80000047;
	s7 =	ssub.s32 $0x2, s7  }
0x9: {  	s30 =	sshrl.u32 s7, $0x1;
	s5 =	sadd.s32 s5, s4;
	s4 =	sadd.s32 $0xC800, s6  }
0xa: {  	s8 =	sadd.s32 s8, s10;
	s10 =	sshrl.u32 s29, $0x2;
	s13 =	ssub.s32 s7, s30  }
0xb: {  	s11 =	sshrl.u32 s5, $0x3;
	s5 =	sadd.s32 $0x34800, s6;
	s8 =	sshll.u32 s8, $0x4  }
0xc: {  	s14 =	sadd.s32 s10, s2;
	s12 =	sadd.s32 s11, s6;
	s8 =	sadd.s32 s8, s6  }
0xd: {  	s6 =	sor.u32 $0x1C02, s31;
	s9 =	sadd.s32 s11, s9;
	s11 =	sshrl.u32 s14, $0x3  }
0xe: {  	s14 =	simm.s32 $0x50;
	s7 =	sadd.s32 $0x37000, s8;
	s8 =	smax.u32 s13, $0x1  }
0xf: {  	s10 =	sadd.s32 $0x2A00, s12;
	s12 =	simm.s32 $0x2;
	s13 =	simm.s32 $0x80  }
.LBB2_1:
0x10: {  	[spmem:s11], [sflag:s6] =	dma.local [hbm:s5], $0x2800  }
0x11: {  	_ =	swait.ge [sflag:s12], $0x2800  }
0x12: {  	[sflag:s12] =	ssyncset.done $0x0  }
0x13: {  	[sflag:s12] =	ssyncadd.s32 $0xFFFFD800  }
0x14: {  	s18 =	sadd.s32 $0x0, s10;
	[bflag:$0x0] =	sbarrier.arrive $0xFFFF  }
0x15: {  	[tilespmem:s3], [sflag:$0x2] =	stream.linear.gather [hbm4b:s18+s3], $0x50, $0x38;
	[tilespmem:$0x16900] =	vst v63  }
0x16: {  	_ =	swait.ge [sflag:s12], $0x50  }
0x17: {  	[sflag:s12] =	ssyncset.done $0x0  }
0x18: {  	s31 =	sadd.s32 $0x0, s9;
	[sflag:s12] =	ssyncadd.s32 $0xFFFFFFB0  }
0x19: {  	[tilespmem:s13], [sflag:$0x2] =	stream.linear.gather [hbm4b:s31+s3], $0x50, $0x38;
	[tilespmem:$0x16900] =	vst v63  }
0x1a: {  	_ =	swait.ge [sflag:s12], $0x50  }
0x1b: {  	[sflag:s12] =	ssyncset.done $0x0  }
0x1c: {  	[sflag:s12] =	ssyncadd.s32 $0xFFFFFFB0  }
0x1d: {  	[tilespmem:s15], [sflag:$0x1] =	stream.indirect.gather [hbm4b:s4+s14], $0x80, s3, s14, $0xb8;
	[tilespmem:$0x16900] =	vst v63  }
0x1e: {  	_ =	swait.ge [sflag:s16], $0x2800  }
0x1f: {  	[sflag:s16] =	ssyncset.done $0x0  }
0x20: {  	[sflag:s16] =	ssyncadd.s32 $0xFFFFD800  }
0x21: {  	[spmem:s2] =	stream.indirect.scatter.add.f32 [tilespmem:s15], [sflag:$0x2], $0x80, s13, s14, $0xb8;
	[tilespmem:$0x16900] =	vst v63  }
0x22: {  	_ =	swait.ge [sflag:s12], $0x2800  }
0x23: {  	s19 =	simm.s32 $0x14;
	s18 =	simm.s32 $0xA;
	[sflag:s12] =	ssyncset.done $0x0  }
.LBB2_2:
0x24: {  	s20 =	sadd.s32 s18, s10  }
0x25: {  	[sflag:s12] =	ssyncadd.s32 $0xFFFFD800;
	s21 =	smov.u32 s19;
	s22 =	sadd.s32 $0xA, s19  }
0x26: {  	[tilespmem:s3], [sflag:$0x2] =	stream.linear.gather [hbm4b:s20+s3], $0x50, $0x38;
	[tilespmem:$0x16900] =	vst v63  }
0x27: {  	p0 =	sne.s32 s19, $0x4D8;
	_ =	swait.ge [sflag:s12], $0x50  }
0x28: {  	[sflag:s12] =	ssyncset.done $0x0  }
0x29: {  	s19 =	sadd.s32 s18, s9;
	s18 =	smov.u32 s21;
	[sflag:s12] =	ssyncadd.s32 $0xFFFFFFB0  }
0x2a: {  	[tilespmem:s13], [sflag:$0x2] =	stream.linear.gather [hbm4b:s19+s3], $0x50, $0x38;
	[tilespmem:$0x16900] =	vst v63  }
0x2b: {  	_ =	swait.ge [sflag:s12], $0x50  }
0x2c: {  	[sflag:s12] =	ssyncset.done $0x0  }
0x2d: {  	[sflag:s12] =	ssyncadd.s32 $0xFFFFFFB0  }
0x2e: {  	[tilespmem:s15], [sflag:$0x1] =	stream.indirect.gather [hbm4b:s4+s14], $0x80, s3, s14, $0xb8;
	[tilespmem:$0x16900] =	vst v63  }
0x2f: {  	_ =	swait.ge [sflag:s16], $0x2800  }
.Ltmp0:
0x30: {  	[sflag:s16] =	ssyncset.done $0x0;
	(pc) =	sbr.rel @p0 .LBB2_2-.Ltmp0, $4  }
0x31: {  	[sflag:s16] =	ssyncadd.s32 $0xFFFFD800  }
0x32: {  	[spmem:s2] =	stream.indirect.scatter.add.f32 [tilespmem:s15], [sflag:$0x2], $0x80, s13, s14, $0xb8;
	[tilespmem:$0x16900] =	vst v63  }
0x33: {  	_ =	swait.ge [sflag:s12], $0x2800  }
0x34: {  	s19 =	smov.u32 s22;
	[sflag:s12] =	ssyncset.done $0x0  }
0x35: {  	s19 =	sadd.s32 s18, s10;
	[sflag:s12] =	ssyncadd.s32 $0xFFFFD800  }
0x36: {  	[tilespmem:s3], [sflag:$0x2] =	stream.linear.gather [hbm4b:s19+s3], $0x50, $0x38;
	[tilespmem:$0x16900] =	vst v63  }
0x37: {  	_ =	swait.ge [sflag:s12], $0x50  }
0x38: {  	[sflag:s12] =	ssyncset.done $0x0  }
0x39: {  	s31 =	sadd.s32 s18, s9;
	[sflag:s12] =	ssyncadd.s32 $0xFFFFFFB0  }
0x3a: {  	[tilespmem:s13], [sflag:$0x2] =	stream.linear.gather [hbm4b:s31+s3], $0x50, $0x38;
	[tilespmem:$0x16900] =	vst v63  }
0x3b: {  	_ =	swait.ge [sflag:s12], $0x50  }
0x3c: {  	[sflag:s12] =	ssyncset.done $0x0  }
0x3d: {  	[sflag:s12] =	ssyncadd.s32 $0xFFFFFFB0  }
0x3e: {  	[tilespmem:s15], [sflag:$0x1] =	stream.indirect.gather [hbm4b:s4+s14], $0x80, s3, s14, $0xb8;
	[tilespmem:$0x16900] =	vst v63  }
0x3f: {  	_ =	swait.ge [sflag:s16], $0x2800  }
0x40: {  	[sflag:s16] =	ssyncset.done $0x0  }
0x41: {  	[sflag:s16] =	ssyncadd.s32 $0xFFFFD800  }
0x42: {  	[spmem:s2] =	stream.indirect.scatter.add.f32 [tilespmem:s15], [sflag:$0x2], $0x80, s13, s14, $0xb8;
	[tilespmem:$0x16900] =	vst v63  }
0x43: {  	_ =	swait.ge [sflag:s12], $0x2800  }
0x44: {  	s17 =	sadd.s32 $0x1, s17;
	[sflag:s12] =	ssyncset.done $0x0  }
0x45: {  	p0 =	sne.s32 s17, s8;
	[sflag:s12] =	ssyncadd.s32 $0xFFFFD800  }
.Ltmp1:
0x46: {  	[bflag:$0x0] =	sbarrier.arrive $0xFFFF;
	(pc) =	sbr.rel @p0 .LBB2_1-.Ltmp1, $4  }
0x47: {  	[hbm:s7], [sflag:s6] =	dma.local [spmem:s11], $0x2800  }
0x48: {  	_ =	swait.ge [sflag:s12], $0x2800  }
0x49: {  	[sflag:s12] =	ssyncset.done $0x0  }
0x4a: {  	[sflag:s12] =	ssyncadd.s32 $0xFFFFD800  }
0x4b: {  	_ =	sfence.sel $0x180000  }
0x4c: {  	[bflag:$0x0] =	sbarrier.arrive $0xFFFF  }
0x4d: {  	p0 =	sne.s32 s0, $0x0;
	_ =	strace $0x90000047  }
0x4e: {  	s0 =	sadd.s32 @!p0 $0x100000, s1;
	[bflag:$0x2] =	sbarrier.arrive $0xFFFF  }
0x4f: {  	[sflag:s0] =	ssyncadd.tile.s32 @!p0 $0x1;
	_ =	shalt  }
.Lfunc_end2:
_tile_overlayer_lowered:
.L_overlay_start_2:
0x50: {  	(tag) =	ssettag $0x2  }
0x51: {  	s0 =	rddreg [dreg:$0x0];
	s2 =	stileid.u32  }
0x52: {  	s1 =	rddreg [dreg:$0x1];
	p0 =	sne.s32 s2, $0x0  }
0x53: {  	s3 =	rddreg [dreg:$0x2];
	[bflag:$0x3] =	sbarrier.arrive $0xFFFF;
	s2 =	simm.s32 @!p0 $0x1C02  }
0x54: {  	[timem:s3], [sflag:s2] =	dma.local @!p0 [hbm:s0], s1  }
0x55: {  	s0 =	simm.s32 @!p0 $0x2  }
0x56: {  	_ =	swait.ge @!p0 [sflag:s0], s1  }
0x57: {  	s1 =	ssub.s32 @!p0 $0x0, s1;
	[sflag:s0] =	ssyncset.done @!p0 $0x0  }
0x58: {  	[sflag:s0] =	ssyncadd.s32 @!p0 s1  }
0x59: {  	[bflag:$0x3] =	sbarrier.arrive $0xFFFF  }
0x5a: {  	_ =	shalt  }

// kernel: kernel.9.cloned.1.call-start
scs
__scs_entry_jumppad:
0x0: {  	(pc) =	sbr.rel $0x88, $3  }
0x1: {  	(tag) =	ssettag $0x0;
	lr =	simm.s32 $0x1  }
0x2: {  	[smem:$0x3F91] =	sst lr;
	_ =	strace $0xD0000000  }
0x3: {  	_ = 	snop  }
0x4: {  	_ = 	snop  }
0x5: {  	_ = 	snop  }
0x6: {  	_ = 	snop  }
0x7: {  	_ = 	snop  }
__scs_overlays_trampoline_lowered:
0x8: {  	[smem:$0x3FA0] =	sst s0  }
0x9: {  	[smem:$0x3FA1] =	sst s1  }
0xa: {  	[smem:$0x3FA2] =	sst s2  }
0xb: {  	[smem:$0x3FA3] =	sst s3  }
0xc: {  	[smem:$0x3FA4] =	sst s4  }
0xd: {  	[smem:$0x3FA5] =	sst s5  }
0xe: {  	[smem:$0x3FA6] =	sst s6  }
0xf: {  	[smem:$0x3FA7] =	sst s7  }
0x10: {  	[smem:$0x3FA8] =	sst s8  }
0x11: {  	[smem:$0x3FA9] =	sst s9;
	s0 =	simm.s32 @!p0 $0x0  }
0x12: {  	s1 =	sld [smem:$0x3F8F];
	s0 =	simm.s32 @p0 $0x1  }
0x13: {  	[smem:$0x3FAA] =	sst s0;
	s0 =	simm.s32 @!p1 $0x0  }
0x14: {  	s2 =	sld [smem:$0x3F8E];
	s0 =	simm.s32 @p1 $0x1  }
0x15: {  	[smem:$0x3FAB] =	sst s0;
	s0 =	simm.s32 @!p2 $0x0  }
0x16: {  	s3 =	sld [smem:$0x3FDB];
	s0 =	simm.s32 @p2 $0x1  }
0x17: {  	s4 =	simm.s32 $0x1BF5;
	[smem:$0x3FAD] =	sst s0  }
0x18: {  	s0 =	sld [smem:$0x3F90];
	_ =	swait.ge [sflag:s4], $0x0  }
0x19: {  	s7 =	sld [smem:$0x3F91]  }
0x1a: {  	s8 =	sadd.s32 $0xFFFFE003, lr  }
0x1b: {  	s9 =	sadd.s32 $0xFFFFFEF7, lr;
	s5 =	simm.s32 $0xFFFFFFFF;
	p2 =	slt.u32 s8, $0xFFFFF086  }
0x1c: {  	p1 =	slt.u32 s9, $0xF7A;
	s5 =	simm.s32 @!p2 $0x0  }
0x1d: {  	s5 =	simm.s32 @p1 $0x1;
	p0 =	seq.s32 s7, s2  }
0x1e: {  	s7 =	smul.u32 @!p0 $0xF7A, s2;
	p2 =	seq.s32 @!p0 s5, $0x0  }
0x1f: {  	s9 =	smul.u32 $0xF7A, s1;
	s8 =	simm.s32 @!p0 $0x1BF5;
	p2 =	por !p2, p0  }
0x20: {  	[sflag:s8] =	ssyncset.s32 @!p0 $0xFFFFF086;
	s6 =	sadd.s32 @!p0 s3, s7;
	s7 =	simm.s32 @!p0 $0x108  }
0x21: {  	s3 =	sadd.s32 s3, s9;
	s6 =	sadd.s32 @!p0 $0x88, s6;
	s7 =	simm.s32 @p2 $0x1082  }
0x22: {  	[simem:s7], [sflag:s8] =	dma.local @!p0 [hbm:s6], $0xF7A  }
0x23: {  	s9 =	sor.u32 $0xD0000000, s2;
	s6 =	simm.s32 $0x108;
	_ =	swait.ge @!p0 [sflag:s8], $0x0  }
0x24: {  	s3 =	sadd.s32 $0x88, s3;
	s6 =	simm.s32 @!p1 $0x1082;
	[sflag:s4] =	ssyncset.s32 $0xFFFFF086  }
0x25: {  	[simem:s6], [sflag:s4] =	dma.local [hbm:s3], $0xF7A  }
0x26: {  	[smem:$0x3F91] =	sst s1;
	(tag) =	ssettag s2;
	_ =	strace s9  }
0x27: {  	s1 =	sld [smem:$0x3FA1]  }
0x28: {  	s2 =	sld [smem:$0x3FA2]  }
0x29: {  	s4 =	sld [smem:$0x3FA4]  }
0x2a: {  	p0 =	seq.s32 s5, $0x0;
	s5 =	sld [smem:$0x3FA5]  }
0x2b: {  	s6 =	sld [smem:$0x3FA6]  }
0x2c: {  	s7 =	sld [smem:$0x3FA7]  }
0x2d: {  	s3 =	simm.s32 $0x108;
	s8 =	sld [smem:$0x3FA8]  }
0x2e: {  	s3 =	simm.s32 @!p0 $0x1082;
	s9 =	sld [smem:$0x3FA9]  }
0x2f: {  	lr =	sadd.s32 s0, s3;
	s0 =	sld [smem:$0x3FA0]  }
0x30: {  	s3 =	sld [smem:$0x3FA3]  }
0x31: {  	[smem:$0x3FAC] =	sst s10  }
0x32: {  	s10 =	sld [smem:$0x3FAA];
	_ =	sdelay $0x3  }
0x33: {  	p0 =	seq.s32 s10, $0x1;
	s10 =	sld [smem:$0x3FAC];
	_ =	sdelay $0x3  }
0x34: {  	[smem:$0x3FAC] =	sst s10  }
0x35: {  	s10 =	sld [smem:$0x3FAB];
	_ =	sdelay $0x3  }
0x36: {  	p1 =	seq.s32 s10, $0x1;
	s10 =	sld [smem:$0x3FAC];
	_ =	sdelay $0x3  }
0x37: {  	[smem:$0x3FAC] =	sst s10  }
0x38: {  	s10 =	sld [smem:$0x3FAD]  }
0x39: {  	_ = 	snop;
	(pc) =	sbr.ind lr, $3  }
0x3a: {  	_ = 	snop  }
0x3b: {  	_ = 	snop  }
0x3c: {  	p2 =	seq.s32 s10, $0x1;
	s10 =	sld [smem:$0x3FAC]  }
0x3d: {  	_ =	shalt  }
0x3e: {  	_ =	shalt  }
0x3f: {  	_ =	shalt  }
0x40: {  	_ =	shalt  }
0x41: {  	_ =	shalt  }
0x42: {  	_ =	shalt  }
0x43: {  	_ =	shalt  }
0x44: {  	_ =	shalt  }
0x45: {  	_ =	shalt  }
0x46: {  	_ =	shalt  }
0x47: {  	_ =	shalt  }
0x48: {  	_ =	shalt  }
0x49: {  	_ =	shalt  }
0x4a: {  	_ =	shalt  }
0x4b: {  	_ =	shalt  }
0x4c: {  	_ =	shalt  }
0x4d: {  	_ =	shalt  }
0x4e: {  	_ =	shalt  }
0x4f: {  	_ =	shalt  }
0x50: {  	_ =	shalt  }
0x51: {  	_ =	shalt  }
0x52: {  	_ =	shalt  }
0x53: {  	_ =	shalt  }
0x54: {  	_ =	shalt  }
0x55: {  	_ =	shalt  }
0x56: {  	_ =	shalt  }
0x57: {  	_ =	shalt  }
0x58: {  	_ =	shalt  }
0x59: {  	_ =	shalt  }
0x5a: {  	_ =	shalt  }
0x5b: {  	_ =	shalt  }
0x5c: {  	_ =	shalt  }
0x5d: {  	_ =	shalt  }
0x5e: {  	_ =	shalt  }
0x5f: {  	_ =	shalt  }
0x60: {  	_ =	shalt  }
0x61: {  	_ =	shalt  }
0x62: {  	_ =	shalt  }
0x63: {  	_ =	shalt  }
0x64: {  	_ =	shalt  }
0x65: {  	_ =	shalt  }
0x66: {  	_ =	shalt  }
0x67: {  	_ =	shalt  }
0x68: {  	_ =	shalt  }
0x69: {  	_ =	shalt  }
0x6a: {  	_ =	shalt  }
0x6b: {  	_ =	shalt  }
0x6c: {  	_ =	shalt  }
0x6d: {  	_ =	shalt  }
0x6e: {  	_ =	shalt  }
0x6f: {  	_ =	shalt  }
0x70: {  	_ =	shalt  }
0x71: {  	_ =	shalt  }
0x72: {  	_ =	shalt  }
0x73: {  	_ =	shalt  }
0x74: {  	_ =	shalt  }
0x75: {  	_ =	shalt  }
0x76: {  	_ =	shalt  }
0x77: {  	_ =	shalt  }
0x78: {  	_ =	shalt  }
0x79: {  	_ =	shalt  }
0x7a: {  	_ =	shalt  }
0x7b: {  	_ =	shalt  }
0x7c: {  	_ =	shalt  }
0x7d: {  	_ =	shalt  }
0x7e: {  	_ =	shalt  }
0x7f: {  	_ =	shalt  }
0x80: {  	_ =	shalt  }
0x81: {  	_ =	shalt  }
0x82: {  	_ =	shalt  }
0x83: {  	_ =	shalt  }
0x84: {  	_ =	shalt  }
0x85: {  	_ =	shalt  }
0x86: {  	_ =	shalt  }
0x87: {  	_ =	shalt  }
.Lfunc_end0:
.L_simem_size_0:
called_computation.1_lowered:
.L_overlay_start_0:
0x88: {  	s2 =	sld [smem:$0x3FD9]  }
0x89: {  	s3 =	sld [smem:$0x3FFE];
	_ =	sdelay $0x1  }
0x8a: {  	s1 =	srdreg.scid  }
0x8b: {  	s0 =	sand.u32 $0x1, s1  }
0x8c: {  	s17 =	sshll.u32 s0, $0xA;
	s2 =	sadd.s32 s3, s2  }
0x8d: {  	s2 =	sadd.s32 s2, s17  }
0x8e: {  	[smem:$0x3FB8] =	sst s2  }
0x8f: {  	_ = 	snop  }
0x90: {  	s2 =	sld [smem:$0x3FD0];
	(tm) =	ssettm $0x1  }
0x91: {  	s18 =	sld [smem:$0x3FFB];
	_ =	sdelay $0x3  }
0x92: {  	_ =	strace s18  }
0x93: {  	s3 =	sld [smem:$0x3FFC];
	_ =	sdelay $0x3  }
0x94: {  	_ =	strace s3  }
0x95: {  	s3 =	sld [smem:$0x3FFD];
	_ =	sdelay $0x3  }
0x96: {  	_ =	strace s3  }
0x97: {  	_ =	strace $0x8FFFFFFF  }
0x98: {  	s19 =	sld [smem:$0x3FDB];
	_ =	sdelay $0x1  }
0x99: {  	s4 =	simm.s32 $_scs_section_size  }
0x9a: {  	s5 =	simm.s32 $_size__tile_overlayer_lowered;
	s6 =	simm.s32 $_tile_overlayer_lowered  }
0x9b: {  	s22 =	simm.s32 $0x1BFF;
	s21 =	sshll.u32 s6, $0x1;
	s3 =	sadd.s32 s4, s19  }
0x9c: {  	s7 =	simm.s32 $0x0;
	s20 =	sshll.u32 s5, $0x1;
	s5 =	sadd.s32 s21, s3  }
0x9d: {  	[timem:s7], [sflag:s22] =	dma.local [hbm:s5], s20  }
0x9e: {  	_ =	swait.ge [sflag:s22], s20  }
0x9f: {  	s4 =	ssub.s32 $0x0, s20;
	[sflag:s22] =	ssyncset.done $0x0  }
0xa0: {  	[sflag:s22] =	ssyncadd.s32 s4;
	_ =	sdelay $0x1  }
0xa1: {  	s23 =	simm.s32 $0x1B8B  }
0xa2: {  	_ =	swait.ge [sflag:s23], $0x1  }
0xa3: {  	[sflag:s23] =	ssyncset.done $0x0  }
0xa4: {  	s25 =	simm.s32 $0x1B8E;
	s24 =	sld [smem:$0x3FFE];
	[sflag:s23] =	ssyncadd.s32 $0xFFFFFFFF  }
0xa5: {  	s26 =	simm.s32 $execute0_lowered;
	[smem:$0x3FD2] =	sst s25  }
0xa6: {  	s5 =	sshll.u32 s26, $0x1;
	_ =	strace $0x80000049;
	[dreg:$0x1] =	wrdreg $0xFFFFFFFF  }
0xa7: {  	s28 =	simm.s32 $_size_execute0_lowered;
	s3 =	sadd.s32 s3, s5;
	[dreg:$0x0] =	wrdreg $0x0  }
0xa8: {  	s5 =	sshll.u32 s28, $0x1;
	[dreg:$0x2] =	wrdreg s3  }
0xa9: {  	[dreg:$0x3] =	wrdreg s5  }
0xaa: {  	[dreg:$0x4] =	wrdreg $0xC0  }
0xab: {  	_ =	task [dreg:s7], $0x5FFFF  }
0xac: {  	[dreg:$0x1] =	wrdreg $0xFFFFFFFF  }
0xad: {  	[dreg:$0x0] =	wrdreg $0x60  }
0xae: {  	[dreg:$0x2] =	wrdreg s24  }
0xaf: {  	[dreg:$0x3] =	wrdreg s2  }
0xb0: {  	[dreg:$0x4] =	wrdreg $0x29000  }
0xb1: {  	[dreg:$0x5] =	wrdreg $0x9  }
0xb2: {  	_ =	task.clear_ibuf [dreg:s7], $0x6FFFF;
	_ =	strace $0x90000049  }
0xb3: {  	s29 =	simm.s32 $0x9;
	_ =	strace $0x8000004B  }
0xb4: {  	_ =	swait.ge [sflag:s29], $0x1  }
0xb5: {  	[sflag:s29] =	ssyncadd.s32 $0xFFFFFFFF  }
0xb6: {  	_ =	strace $0x9000004B  }
0xb7: {  	_ =	sfence  }
0xb8: {  	s30 =	sld [smem:$0x0];
	_ =	sdelay $0x2  }
0xb9: {  	s31 =	sshll.u32 s1, $0xD;
	s1 =	sshrl.u32 s1, $0x2  }
0xba: {  	s3 =	sand.u32 $0x4000, s31;
	s1 =	sadd.s32 s1, s30  }
0xbb: {  	s0 =	sor.u32 s3, s0;
	s1 =	sshll.u32 s1, $0x11  }
0xbc: {  	s0 =	sor.u32 s1, s0  }
0xbd: {  	s0 =	sadd.s32 $0x8F2B, s0  }
0xbe: {  	[sflag:s0] =	ssyncadd.remote.s32 $0x1  }
0xbf: {  	_ =	sfence.sel $0xFFFF  }
0xc0: {  	[dreg:$0x0] =	wrdreg $0xFFFFFFFF;
	(pc) =	sbr.abs _section_cstart, $3  }
0xc1: {  	[dreg:$0x1] =	wrdreg $0xFFFFFFFF  }
0xc2: {  	_ =	task.clear_ibuf [dreg:s7], $0x2FFFF;
	_ =	strace $0x9FFFFFFF  }
0xc3: {  	(tm) =	ssettm $0x7FFFFFFF  }
tec
execute0_lowered:
.L_overlay_start_1:
0x0: {  	(tag) =	ssettag $0x1  }
0x1: {  	s6 =	rddreg [dreg:$0x0]  }
0x2: {  	s1 =	srdreg.scid;
	s9 =	rddreg [dreg:$0x1]  }
0x3: {  	s0 =	stileid.u32;
	s2 =	rddreg [dreg:$0x2]  }
0x4: {  	s3 =	simm.s32 $0x0;
	s15 =	simm.s32 $0x100;
	s4 =	smul.u32 $0x4E20, s0  }
0x5: {  	s16 =	simm.s32 $0x1;
	s17 =	simm.s32 $0x0;
	s8 =	smul.u32 $0x280, s0  }
0x6: {  	s7 =	sand.u32 $0x1, s1;
	s1 =	rddreg [dreg:$0x3];
	s29 =	smul.u32 $0x50000, s0  }
0x7: {  	[smem:$0x7FF] =	sst s3;
	s31 =	sshll.u32 s0, $0x6;
	s5 =	smul.u32 $0x2710, s7  }
0x8: {  	s10 =	smul.u32 $0x2800, s7;
	_ =	strace $0x8000004A;
	s7 =	ssub.s32 $0x2, s7  }
0x9: {  	s30 =	sshrl.u32 s7, $0x1;
	s5 =	sadd.s32 s5, s4;
	s4 =	sadd.s32 $0xC800, s6  }
0xa: {  	s8 =	sadd.s32 s8, s10;
	s10 =	sshrl.u32 s29, $0x2;
	s13 =	ssub.s32 s7, s30  }
0xb: {  	s11 =	sshrl.u32 s5, $0x3;
	s5 =	sadd.s32 $0x34800, s6;
	s8 =	sshll.u32 s8, $0x4  }
0xc: {  	s14 =	sadd.s32 s10, s2;
	s12 =	sadd.s32 s11, s6;
	s8 =	sadd.s32 s8, s6  }
0xd: {  	s6 =	sor.u32 $0x1C02, s31;
	s9 =	sadd.s32 s11, s9;
	s11 =	sshrl.u32 s14, $0x3  }
0xe: {  	s14 =	simm.s32 $0x50;
	s7 =	sadd.s32 $0x37000, s8;
	s8 =	smax.u32 s13, $0x1  }
0xf: {  	s10 =	sadd.s32 $0x2A00, s12;
	s12 =	simm.s32 $0x2;
	s13 =	simm.s32 $0x80  }
.LBB2_1:
0x10: {  	[spmem:s11], [sflag:s6] =	dma.local [hbm:s5], $0x2800  }
0x11: {  	_ =	swait.ge [sflag:s12], $0x2800  }
0x12: {  	[sflag:s12] =	ssyncset.done $0x0  }
0x13: {  	[sflag:s12] =	ssyncadd.s32 $0xFFFFD800  }
0x14: {  	s18 =	sadd.s32 $0x0, s10;
	[bflag:$0x0] =	sbarrier.arrive $0xFFFF  }
0x15: {  	[tilespmem:s3], [sflag:$0x2] =	stream.linear.gather [hbm4b:s18+s3], $0x50, $0x38;
	[tilespmem:$0x16900] =	vst v63  }
0x16: {  	_ =	swait.ge [sflag:s12], $0x50  }
0x17: {  	[sflag:s12] =	ssyncset.done $0x0  }
0x18: {  	s31 =	sadd.s32 $0x0, s9;
	[sflag:s12] =	ssyncadd.s32 $0xFFFFFFB0  }
0x19: {  	[tilespmem:s13], [sflag:$0x2] =	stream.linear.gather [hbm4b:s31+s3], $0x50, $0x38;
	[tilespmem:$0x16900] =	vst v63  }
0x1a: {  	_ =	swait.ge [sflag:s12], $0x50  }
0x1b: {  	[sflag:s12] =	ssyncset.done $0x0  }
0x1c: {  	[sflag:s12] =	ssyncadd.s32 $0xFFFFFFB0  }
0x1d: {  	[tilespmem:s15], [sflag:$0x1] =	stream.indirect.gather [hbm4b:s4+s14], $0x80, s3, s14, $0xb8;
	[tilespmem:$0x16900] =	vst v63  }
0x1e: {  	_ =	swait.ge [sflag:s16], $0x2800  }
0x1f: {  	[sflag:s16] =	ssyncset.done $0x0  }
0x20: {  	[sflag:s16] =	ssyncadd.s32 $0xFFFFD800  }
0x21: {  	[spmem:s2] =	stream.indirect.scatter.add.f32 [tilespmem:s15], [sflag:$0x2], $0x80, s13, s14, $0xb8;
	[tilespmem:$0x16900] =	vst v63  }
0x22: {  	_ =	swait.ge [sflag:s12], $0x2800  }
0x23: {  	s19 =	simm.s32 $0x14;
	s18 =	simm.s32 $0xA;
	[sflag:s12] =	ssyncset.done $0x0  }
.LBB2_2:
0x24: {  	s20 =	sadd.s32 s18, s10  }
0x25: {  	[sflag:s12] =	ssyncadd.s32 $0xFFFFD800;
	s21 =	smov.u32 s19;
	s22 =	sadd.s32 $0xA, s19  }
0x26: {  	[tilespmem:s3], [sflag:$0x2] =	stream.linear.gather [hbm4b:s20+s3], $0x50, $0x38;
	[tilespmem:$0x16900] =	vst v63  }
0x27: {  	p0 =	sne.s32 s19, $0x4D8;
	_ =	swait.ge [sflag:s12], $0x50  }
0x28: {  	[sflag:s12] =	ssyncset.done $0x0  }
0x29: {  	s19 =	sadd.s32 s18, s9;
	s18 =	smov.u32 s21;
	[sflag:s12] =	ssyncadd.s32 $0xFFFFFFB0  }
0x2a: {  	[tilespmem:s13], [sflag:$0x2] =	stream.linear.gather [hbm4b:s19+s3], $0x50, $0x38;
	[tilespmem:$0x16900] =	vst v63  }
0x2b: {  	_ =	swait.ge [sflag:s12], $0x50  }
0x2c: {  	[sflag:s12] =	ssyncset.done $0x0  }
0x2d: {  	[sflag:s12] =	ssyncadd.s32 $0xFFFFFFB0  }
0x2e: {  	[tilespmem:s15], [sflag:$0x1] =	stream.indirect.gather [hbm4b:s4+s14], $0x80, s3, s14, $0xb8;
	[tilespmem:$0x16900] =	vst v63  }
0x2f: {  	_ =	swait.ge [sflag:s16], $0x2800  }
.Ltmp0:
0x30: {  	[sflag:s16] =	ssyncset.done $0x0;
	(pc) =	sbr.rel @p0 .LBB2_2-.Ltmp0, $4  }
0x31: {  	[sflag:s16] =	ssyncadd.s32 $0xFFFFD800  }
0x32: {  	[spmem:s2] =	stream.indirect.scatter.add.f32 [tilespmem:s15], [sflag:$0x2], $0x80, s13, s14, $0xb8;
	[tilespmem:$0x16900] =	vst v63  }
0x33: {  	_ =	swait.ge [sflag:s12], $0x2800  }
0x34: {  	s19 =	smov.u32 s22;
	[sflag:s12] =	ssyncset.done $0x0  }
0x35: {  	s19 =	sadd.s32 s18, s10;
	[sflag:s12] =	ssyncadd.s32 $0xFFFFD800  }
0x36: {  	[tilespmem:s3], [sflag:$0x2] =	stream.linear.gather [hbm4b:s19+s3], $0x50, $0x38;
	[tilespmem:$0x16900] =	vst v63  }
0x37: {  	_ =	swait.ge [sflag:s12], $0x50  }
0x38: {  	[sflag:s12] =	ssyncset.done $0x0  }
0x39: {  	s31 =	sadd.s32 s18, s9;
	[sflag:s12] =	ssyncadd.s32 $0xFFFFFFB0  }
0x3a: {  	[tilespmem:s13], [sflag:$0x2] =	stream.linear.gather [hbm4b:s31+s3], $0x50, $0x38;
	[tilespmem:$0x16900] =	vst v63  }
0x3b: {  	_ =	swait.ge [sflag:s12], $0x50  }
0x3c: {  	[sflag:s12] =	ssyncset.done $0x0  }
0x3d: {  	[sflag:s12] =	ssyncadd.s32 $0xFFFFFFB0  }
0x3e: {  	[tilespmem:s15], [sflag:$0x1] =	stream.indirect.gather [hbm4b:s4+s14], $0x80, s3, s14, $0xb8;
	[tilespmem:$0x16900] =	vst v63  }
0x3f: {  	_ =	swait.ge [sflag:s16], $0x2800  }
0x40: {  	[sflag:s16] =	ssyncset.done $0x0  }
0x41: {  	[sflag:s16] =	ssyncadd.s32 $0xFFFFD800  }
0x42: {  	[spmem:s2] =	stream.indirect.scatter.add.f32 [tilespmem:s15], [sflag:$0x2], $0x80, s13, s14, $0xb8;
	[tilespmem:$0x16900] =	vst v63  }
0x43: {  	_ =	swait.ge [sflag:s12], $0x2800  }
0x44: {  	s17 =	sadd.s32 $0x1, s17;
	[sflag:s12] =	ssyncset.done $0x0  }
0x45: {  	p0 =	sne.s32 s17, s8;
	[sflag:s12] =	ssyncadd.s32 $0xFFFFD800  }
.Ltmp1:
0x46: {  	[bflag:$0x0] =	sbarrier.arrive $0xFFFF;
	(pc) =	sbr.rel @p0 .LBB2_1-.Ltmp1, $4  }
0x47: {  	[hbm:s7], [sflag:s6] =	dma.local [spmem:s11], $0x2800  }
0x48: {  	_ =	swait.ge [sflag:s12], $0x2800  }
0x49: {  	[sflag:s12] =	ssyncset.done $0x0  }
0x4a: {  	[sflag:s12] =	ssyncadd.s32 $0xFFFFD800  }
0x4b: {  	_ =	sfence.sel $0x180000  }
0x4c: {  	[bflag:$0x0] =	sbarrier.arrive $0xFFFF  }
0x4d: {  	p0 =	sne.s32 s0, $0x0;
	_ =	strace $0x9000004A  }
0x4e: {  	s0 =	sadd.s32 @!p0 $0x100000, s1;
	[bflag:$0x2] =	sbarrier.arrive $0xFFFF  }
0x4f: {  	[sflag:s0] =	ssyncadd.tile.s32 @!p0 $0x1;
	_ =	shalt  }
.Lfunc_end2:
_tile_overlayer_lowered:
.L_overlay_start_2:
0x50: {  	(tag) =	ssettag $0x2  }
0x51: {  	s0 =	rddreg [dreg:$0x0];
	s2 =	stileid.u32  }
0x52: {  	s1 =	rddreg [dreg:$0x1];
	p0 =	sne.s32 s2, $0x0  }
0x53: {  	s3 =	rddreg [dreg:$0x2];
	[bflag:$0x3] =	sbarrier.arrive $0xFFFF;
	s2 =	simm.s32 @!p0 $0x1C02  }
0x54: {  	[timem:s3], [sflag:s2] =	dma.local @!p0 [hbm:s0], s1  }
0x55: {  	s0 =	simm.s32 @!p0 $0x2  }
0x56: {  	_ =	swait.ge @!p0 [sflag:s0], s1  }
0x57: {  	s1 =	ssub.s32 @!p0 $0x0, s1;
	[sflag:s0] =	ssyncset.done @!p0 $0x0  }
0x58: {  	[sflag:s0] =	ssyncadd.s32 @!p0 s1  }
0x59: {  	[bflag:$0x3] =	sbarrier.arrive $0xFFFF  }
0x5a: {  	_ =	shalt  }

</sc_bundles>
